<compile_context>
chip_gen: v7x
topology: tpu7x:2x2x1
jax: 0.10.2.dev20260603
libtpu: 0.0.44.dev20260713+nightly
codegen_flags: <defaults>
</compile_context>

<pallas_src>
import functools

import jax
import jax.numpy as jnp
from jax import lax
from jax.experimental import pallas as pl
from jax.experimental.pallas import tpu as pltpu
from jax.experimental.pallas import tpu_sc as plsc

ALPHA = 0.5
NC = 2
NS = 16
L = 16




def _deg_body(e, ei0_hbm, ei1_hbm, z1d_hbm, deg_hbm, idxv, ones_v, deg_sh, semd):
    c = lax.axis_index("c")
    s = lax.axis_index("s")
    npad = deg_sh.shape[0]
    per = npad // NS
    ept = e // NS
    full = ept // 128
    rem = ept % 128
    pltpu.sync_copy(z1d_hbm, deg_sh.at[pl.ds(s * per, per)])
    for k in range(8):
        ones_v[pl.ds(k * 16, 16)] = jnp.ones((16,), jnp.float32)

    @pl.when(c == 0)
    def _():
        pltpu.sync_copy(ei0_hbm.at[pl.ds(s * ept, ept)], idxv)

    @pl.when(c == 1)
    def _():
        pltpu.sync_copy(ei1_hbm.at[pl.ds(s * ept, ept)], idxv)

    plsc.subcore_barrier()

    def body(j, carry):
        pltpu.async_copy(ones_v, deg_sh.at[idxv.at[pl.ds(j * 128, 128)]],
                         semd, add=True)
        return carry

    lax.fori_loop(0, full, body, 0)
    if rem:
        pltpu.async_copy(ones_v.at[pl.ds(0, rem)],
                         deg_sh.at[idxv.at[pl.ds(full * 128, rem)]],
                         semd, add=True)

    def drain(j, carry):
        pltpu.make_async_copy(ones_v, deg_sh.at[idxv.at[pl.ds(j * 128, 128)]],
                              semd).wait()
        return carry

    lax.fori_loop(0, full, drain, 0)
    if rem:
        pltpu.make_async_copy(ones_v.at[pl.ds(0, rem)],
                              deg_sh.at[idxv.at[pl.ds(full * 128, rem)]],
                              semd).wait()
    plsc.subcore_barrier()
    pltpu.sync_copy(deg_sh.at[pl.ds(s * per, per)],
                    deg_hbm.at[c, pl.ds(s * per, per)])


def _scatter_body(e, v_hbm, ei0_hbm, ei1_hbm, z2d_hbm, t_hbm,
                  idx_g0, idx_g1, idx_s0, idx_s1, rows0, rows1, t_sh,
                  sem0, sem1, semi0, semi1):
    c = lax.axis_index("c")
    s = lax.axis_index("s")
    npad = t_sh.shape[0]
    per = npad // NS
    ept = e // NS
    EB = idx_g0.shape[0]
    nfull = ept // EB
    tail = ept % EB

    def gather(g_ref, k, nrow, rows, sem):
        pltpu.async_copy(
            v_hbm.at[c].at[g_ref.at[pl.ds(k * 128, nrow)]],
            rows.at[pl.ds(0, nrow)], sem)

    def drain_scatter(g_ref, s_ref, k, nrow, rows, sem):
        pltpu.make_async_copy(
            v_hbm.at[c].at[g_ref.at[pl.ds(k * 128, nrow)]],
            rows.at[pl.ds(0, nrow)], sem).wait()
        pltpu.sync_copy(rows.at[pl.ds(0, nrow)],
                        t_sh.at[s_ref.at[pl.ds(k * 128, nrow)]], add=True)

    def load_idx(i, size, g_ref, s_ref, semi):
        off = s * ept + i * EB
        @pl.when(c == 0)
        def _():
            pltpu.async_copy(ei1_hbm.at[pl.ds(off, size)],
                             g_ref.at[pl.ds(0, size)], semi)
            pltpu.async_copy(ei0_hbm.at[pl.ds(off, size)],
                             s_ref.at[pl.ds(0, size)], semi)

        @pl.when(c == 1)
        def _():
            pltpu.async_copy(ei0_hbm.at[pl.ds(off, size)],
                             g_ref.at[pl.ds(0, size)], semi)
            pltpu.async_copy(ei1_hbm.at[pl.ds(off, size)],
                             s_ref.at[pl.ds(0, size)], semi)

    def drain_idx(i, size, g_ref, s_ref, semi):
        off = s * ept + i * EB
        pltpu.make_async_copy(ei0_hbm.at[pl.ds(off, size)],
                              g_ref.at[pl.ds(0, size)], semi).wait()
        pltpu.make_async_copy(ei0_hbm.at[pl.ds(off, size)],
                              s_ref.at[pl.ds(0, size)], semi).wait()

    def run_chunks(g_ref, s_ref, nchunk):
        gather(g_ref, 0, 128, rows0, sem0)

        def pair(jj, carry2):
            j = 2 * jj
            gather(g_ref, j + 1, 128, rows1, sem1)
            drain_scatter(g_ref, s_ref, j, 128, rows0, sem0)

            @pl.when(jj < nchunk // 2 - 1)
            def _():
                gather(g_ref, j + 2, 128, rows0, sem0)

            drain_scatter(g_ref, s_ref, j + 1, 128, rows1, sem1)
            return carry2

        lax.fori_loop(0, nchunk // 2, pair, 0)

    load_idx(0, EB, idx_g0, idx_s0, semi0)
    pltpu.sync_copy(z2d_hbm, t_sh.at[pl.ds(s * per, per)])
    plsc.subcore_barrier()

    def blk(i, carry):
        p = lax.rem(i, 2)

        @pl.when(i + 1 < nfull)
        def _():
            @pl.when(p == 0)
            def _():
                load_idx(i + 1, EB, idx_g1, idx_s1, semi1)

            @pl.when(p == 1)
            def _():
                load_idx(i + 1, EB, idx_g0, idx_s0, semi0)

        @pl.when(p == 0)
        def _():
            drain_idx(i, EB, idx_g0, idx_s0, semi0)
            run_chunks(idx_g0, idx_s0, EB // 128)

        @pl.when(p == 1)
        def _():
            drain_idx(i, EB, idx_g1, idx_s1, semi1)
            run_chunks(idx_g1, idx_s1, EB // 128)

        return carry

    lax.fori_loop(0, nfull, blk, 0)

    if tail:
        load_idx(nfull, tail, idx_g0, idx_s0, semi0)
        drain_idx(nfull, tail, idx_g0, idx_s0, semi0)
        tfull = tail // 128
        trem = tail % 128
        if tfull >= 2:
            run_chunks(idx_g0, idx_s0, (tfull // 2) * 2)
        if tfull % 2:
            gather(idx_g0, tfull - 1, 128, rows0, sem0)
            drain_scatter(idx_g0, idx_s0, tfull - 1, 128, rows0, sem0)
        if trem:
            gather(idx_g0, tfull, trem, rows0, sem0)
            drain_scatter(idx_g0, idx_s0, tfull, trem, rows0, sem0)

    plsc.subcore_barrier()
    pltpu.sync_copy(t_sh.at[pl.ds(s * per, per)],
                    t_hbm.at[c, pl.ds(s * per, per)])




def _prescale_body(x_ref, w1_ref, w2_ref, degs_ref, v_ref, s_ref):
    xb = x_ref[...]
    u1 = lax.dot_general(xb, w1_ref[...], (((1,), (1,)), ((), ())),
                         preferred_element_type=jnp.float32)
    u2 = lax.dot_general(xb, w2_ref[...], (((1,), (1,)), ((), ())),
                         preferred_element_type=jnp.float32)
    degs = degs_ref[...]
    inv = jnp.where(degs > 0, lax.rsqrt(degs), 0.0)
    b = inv[:, 0:1]
    a = inv[:, 1:2]
    v_ref[0] = a * u1
    v_ref[1] = b * u2
    s_ref[...] = jnp.concatenate([ALPHA * b, (1.0 - ALPHA) * a], axis=1)


def _combine_body(t_ref, s_ref, b1_ref, b2_ref, o_ref):
    s = s_ref[...]
    cb = ALPHA * b1_ref[...] + (1.0 - ALPHA) * b2_ref[...]
    o_ref[...] = s[:, 0:1] * t_ref[0] + s[:, 1:2] * t_ref[1] + cb




def kernel(x, edge_index, W_src_to_dst, b_src_to_dst, W_dst_to_src, b_dst_to_src):
    n, d = x.shape
    e = edge_index.shape[1]
    npad = ((n + 511) // 512) * 512
    if npad % (NS * 8):
        npad += NS * 8 - npad % (NS * 8)
    per = npad // NS

    ei0 = edge_index[0].astype(jnp.int32)
    ei1 = edge_index[1].astype(jnp.int32)

    z1d = jnp.zeros((per,), jnp.float32)
    z2d = jnp.zeros((per, d), jnp.float32)

    mesh = plsc.VectorSubcoreMesh(core_axis_name="c", subcore_axis_name="s")

    degs = pl.kernel(
        functools.partial(_deg_body, e),
        out_type=jax.ShapeDtypeStruct((2, npad), jnp.float32),
        mesh=mesh,
        scratch_types=[
            pltpu.VMEM((e // NS,), jnp.int32),
            pltpu.VMEM((128,), jnp.float32),
            pltpu.VMEM_SHARED((npad,), jnp.float32),
            pltpu.SemaphoreType.DMA,
        ],
    )(ei0, ei1, z1d)

    blk = 2048
    grid = npad // blk
    v_s = pl.pallas_call(
        _prescale_body,
        grid=(grid,),
        in_specs=[
            pl.BlockSpec((blk, d), lambda i: (i, 0)),
            pl.BlockSpec((d, d), lambda i: (0, 0)),
            pl.BlockSpec((d, d), lambda i: (0, 0)),
            pl.BlockSpec((blk, 2), lambda i: (i, 0)),
        ],
        out_specs=[
            pl.BlockSpec((2, blk, d), lambda i: (0, i, 0)),
            pl.BlockSpec((blk, 2), lambda i: (i, 0)),
        ],
        out_shape=[
            jax.ShapeDtypeStruct((2, npad, d), jnp.float32),
            jax.ShapeDtypeStruct((npad, 2), jnp.float32),
        ],
    )(x, W_src_to_dst, W_dst_to_src, degs.T)
    v, s_scale = v_s

    t = pl.kernel(
        functools.partial(_scatter_body, e),
        out_type=jax.ShapeDtypeStruct((2, npad, d), jnp.float32),
        mesh=mesh,
        scratch_types=[
            pltpu.VMEM((2048,), jnp.int32),
            pltpu.VMEM((2048,), jnp.int32),
            pltpu.VMEM((2048,), jnp.int32),
            pltpu.VMEM((2048,), jnp.int32),
            pltpu.VMEM((128, d), jnp.float32),
            pltpu.VMEM((128, d), jnp.float32),
            pltpu.VMEM_SHARED((npad, d), jnp.float32),
            pltpu.SemaphoreType.DMA,
            pltpu.SemaphoreType.DMA,
            pltpu.SemaphoreType.DMA,
            pltpu.SemaphoreType.DMA,
        ],
    )(v, ei0, ei1, z2d)

    out = pl.pallas_call(
        _combine_body,
        grid=(grid,),
        in_specs=[
            pl.BlockSpec((2, blk, d), lambda i: (0, i, 0)),
            pl.BlockSpec((blk, 2), lambda i: (i, 0)),
            pl.BlockSpec((1, d), lambda i: (0, 0)),
            pl.BlockSpec((1, d), lambda i: (0, 0)),
        ],
        out_specs=pl.BlockSpec((blk, d), lambda i: (i, 0)),
        out_shape=jax.ShapeDtypeStruct((n, d), jnp.float32),
    )(t, s_scale, b_src_to_dst.reshape(1, d), b_dst_to_src.reshape(1, d))

    return out

# --- scband reference (transcript-rebuilt; emitter-appended) ---
"""Pipeline reference for scband-dir-gcnconv-27152783245347 (READ-ONLY COPY).

The authoritative reference and input builder live on the scoring server;
editing this copy changes nothing except your own understanding.
"""

import jax, jax.numpy as jnp
import numpy as np

N_NODES = 10000
N_EDGES = 320000
D = 128
ALPHA = 0.5


def setup_inputs(seed: int = 0) -> dict:
    key = jax.random.key(seed)
    k1, k2, k3, k4 = jax.random.split(key, 4)
    x = jax.random.normal(k1, (N_NODES, D), dtype=jnp.float32)
    edge_index = jax.random.randint(k2, (2, N_EDGES), 0, N_NODES, dtype=jnp.int64 if jax.config.jax_enable_x64 else jnp.int32)
    # Linear layer params (torch Linear: out = x @ W.T + b)
    bound = 1.0 / np.sqrt(D)
    W_src_to_dst = jax.random.uniform(k3, (D, D), dtype=jnp.float32, minval=-bound, maxval=bound)
    b_src_to_dst = jnp.zeros((D,), dtype=jnp.float32)
    W_dst_to_src = jax.random.uniform(k4, (D, D), dtype=jnp.float32, minval=-bound, maxval=bound)
    b_dst_to_src = jnp.zeros((D,), dtype=jnp.float32)
    return {
        "x": x,
        "edge_index": edge_index,
        "W_src_to_dst": W_src_to_dst,
        "b_src_to_dst": b_src_to_dst,
        "W_dst_to_src": W_dst_to_src,
        "b_dst_to_src": b_dst_to_src,
    }


def reference(x, edge_index, W_src_to_dst, b_src_to_dst, W_dst_to_src, b_dst_to_src):
    n = x.shape[0]
    row = edge_index[0]
    col = edge_index[1]
    ones = jnp.ones(row.shape[0], dtype=x.dtype)
    # Directed norm for adj (row=src, col=dst): D_out^{-1/2} A D_in^{-1/2}
    out_deg = jnp.zeros((n,), dtype=x.dtype).at[row].add(ones)
    in_deg = jnp.zeros((n,), dtype=x.dtype).at[col].add(ones)
    out_inv_sqrt = jnp.where(out_deg > 0, out_deg ** -0.5, 0.0)
    in_inv_sqrt = jnp.where(in_deg > 0, in_deg ** -0.5, 0.0)
    val = out_inv_sqrt[row] * in_inv_sqrt[col]
    # adj_norm @ x : out[row] += val * x[col]
    msg_src_to_dst = jnp.zeros_like(x).at[row].add(val[:, None] * x[col])
    # adj_t has row=col, col=row; its out_deg = in_deg of adj, in_deg = out_deg of adj
    val_t = in_inv_sqrt[col] * out_inv_sqrt[row]
    # adj_t_norm @ x : out[col] += val_t * x[row]
    msg_dst_to_src = jnp.zeros_like(x).at[col].add(val_t[:, None] * x[row])
    out1 = msg_src_to_dst @ W_src_to_dst.T + b_src_to_dst
    out2 = msg_dst_to_src @ W_dst_to_src.T + b_dst_to_src
    return ALPHA * out1 + (1.0 - ALPHA) * out2

if __name__ == "__main__":
    import jax
    _d = setup_inputs()
    print(jax.jit(kernel)(*tuple(_d.values())))

</pallas_src>

<mosaic_0001>
#map = affine_map<(d0, d1) -> (0, 0, 0)>
#map1 = affine_map<(d0, d1) -> (0)>
#map2 = affine_map<(d0, d1) -> (0, 0)>
module attributes {stable_mosaic.version = 14 : i64} {
  func.func @_scatter_body(%arg0: i32, %arg1: i32, %arg2: memref<2x10240x128xf32, #tpu.memory_space<hbm>>, %arg3: memref<320000xi32, #tpu.memory_space<hbm>>, %arg4: memref<320000xi32, #tpu.memory_space<hbm>>, %arg5: memref<640x128xf32, #tpu.memory_space<hbm>>, %arg6: memref<2x10240x128xf32, #tpu.memory_space<hbm>>, %arg7: memref<2048xi32, #tpu.memory_space<vmem>>, %arg8: memref<2048xi32, #tpu.memory_space<vmem>>, %arg9: memref<2048xi32, #tpu.memory_space<vmem>>, %arg10: memref<2048xi32, #tpu.memory_space<vmem>>, %arg11: memref<128x128xf32, #tpu.memory_space<vmem>>, %arg12: memref<128x128xf32, #tpu.memory_space<vmem>>, %arg13: memref<10240x128xf32, #tpu.memory_space<vmem_shared>>, %arg14: memref<!tpu.dma_semaphore, #tpu.memory_space<semaphore_mem>>, %arg15: memref<!tpu.dma_semaphore, #tpu.memory_space<semaphore_mem>>, %arg16: memref<!tpu.dma_semaphore, #tpu.memory_space<semaphore_mem>>, %arg17: memref<!tpu.dma_semaphore, #tpu.memory_space<semaphore_mem>>) attributes {dimension_semantics = [#tpu.dimension_semantics<core_parallel>, #tpu.dimension_semantics<subcore_parallel>], iteration_bounds = array<i64: 2, 16>, scalar_prefetch = 0 : i64, scratch_operands = 11 : i64, tpu.core_type = #tpu.core_type<sc_vector_subcore>, window_params = [{transform_indices = #map}, {transform_indices = #map1}, {transform_indices = #map1}, {transform_indices = #map2}, {transform_indices = #map}]} {
    %mul3A = arith.constant 20000 : i32
    %mul3A_0 = arith.muli %arg1, %mul3A : i32
    %add3A = arith.constant 0 : i32
    %add3A_1 = arith.addi %mul3A_0, %add3A : i32
    %eq3A = arith.constant 0 : i32
    %eq3A_2 = arith.cmpi eq, %arg0, %eq3A : i32
    %convert_element_type3A = arith.extui %eq3A_2 : i1 to i32
    %cond3A = arith.constant 0 : i32
    %cond3A_3 = arith.cmpi ne, %convert_element_type3A, %cond3A : i32
    scf.if %cond3A_3 {
      %dma_start3A_91 = arith.constant 0 : i32
      %dma_start3A_92 = tpu.memref_slice %arg7[%dma_start3A_91] : memref<2048xi32, #tpu.memory_space<vmem>> -> memref<2048xi32, #tpu.memory_space<vmem>>
      %dma_start3A_93 = tpu.memref_slice %arg4[%add3A_1] : memref<320000xi32, #tpu.memory_space<hbm>> -> memref<2048xi32, #tpu.memory_space<hbm>>
      %dma_start3A_94 = arith.constant 0 : i32
      %dma_start3A_95 = tpu.memref_slice %arg7[%dma_start3A_94] : memref<2048xi32, #tpu.memory_space<vmem>> -> memref<2048xi32, #tpu.memory_space<vmem>>
      %dma_start3A_96 = tpu.memref_slice %arg4[%add3A_1] : memref<320000xi32, #tpu.memory_space<hbm>> -> memref<2048xi32, #tpu.memory_space<hbm>>
      tpu.enqueue_dma source(%dma_start3A_96 : memref<2048xi32, #tpu.memory_space<hbm>>) target(%dma_start3A_95 : memref<2048xi32, #tpu.memory_space<vmem>>) target_semaphore(%arg16 : memref<!tpu.dma_semaphore, #tpu.memory_space<semaphore_mem>>)
      %dma_start3A_97 = arith.constant 0 : i32
      %dma_start3A_98 = tpu.memref_slice %arg9[%dma_start3A_97] : memref<2048xi32, #tpu.memory_space<vmem>> -> memref<2048xi32, #tpu.memory_space<vmem>>
      %dma_start3A_99 = tpu.memref_slice %arg3[%add3A_1] : memref<320000xi32, #tpu.memory_space<hbm>> -> memref<2048xi32, #tpu.memory_space<hbm>>
      %dma_start3A_100 = arith.constant 0 : i32
      %dma_start3A_101 = tpu.memref_slice %arg9[%dma_start3A_100] : memref<2048xi32, #tpu.memory_space<vmem>> -> memref<2048xi32, #tpu.memory_space<vmem>>
      %dma_start3A_102 = tpu.memref_slice %arg3[%add3A_1] : memref<320000xi32, #tpu.memory_space<hbm>> -> memref<2048xi32, #tpu.memory_space<hbm>>
      tpu.enqueue_dma source(%dma_start3A_102 : memref<2048xi32, #tpu.memory_space<hbm>>) target(%dma_start3A_101 : memref<2048xi32, #tpu.memory_space<vmem>>) target_semaphore(%arg16 : memref<!tpu.dma_semaphore, #tpu.memory_space<semaphore_mem>>)
    } else {
    }
    %eq3A_4 = arith.constant 1 : i32
    %eq3A_5 = arith.cmpi eq, %arg0, %eq3A_4 : i32
    %convert_element_type3A_6 = arith.extui %eq3A_5 : i1 to i32
    %cond3A_7 = arith.constant 0 : i32
    %cond3A_8 = arith.cmpi ne, %convert_element_type3A_6, %cond3A_7 : i32
    scf.if %cond3A_8 {
      %dma_start3A_91 = arith.constant 0 : i32
      %dma_start3A_92 = tpu.memref_slice %arg7[%dma_start3A_91] : memref<2048xi32, #tpu.memory_space<vmem>> -> memref<2048xi32, #tpu.memory_space<vmem>>
      %dma_start3A_93 = tpu.memref_slice %arg3[%add3A_1] : memref<320000xi32, #tpu.memory_space<hbm>> -> memref<2048xi32, #tpu.memory_space<hbm>>
      %dma_start3A_94 = arith.constant 0 : i32
      %dma_start3A_95 = tpu.memref_slice %arg7[%dma_start3A_94] : memref<2048xi32, #tpu.memory_space<vmem>> -> memref<2048xi32, #tpu.memory_space<vmem>>
      %dma_start3A_96 = tpu.memref_slice %arg3[%add3A_1] : memref<320000xi32, #tpu.memory_space<hbm>> -> memref<2048xi32, #tpu.memory_space<hbm>>
      tpu.enqueue_dma source(%dma_start3A_96 : memref<2048xi32, #tpu.memory_space<hbm>>) target(%dma_start3A_95 : memref<2048xi32, #tpu.memory_space<vmem>>) target_semaphore(%arg16 : memref<!tpu.dma_semaphore, #tpu.memory_space<semaphore_mem>>)
      %dma_start3A_97 = arith.constant 0 : i32
      %dma_start3A_98 = tpu.memref_slice %arg9[%dma_start3A_97] : memref<2048xi32, #tpu.memory_space<vmem>> -> memref<2048xi32, #tpu.memory_space<vmem>>
      %dma_start3A_99 = tpu.memref_slice %arg4[%add3A_1] : memref<320000xi32, #tpu.memory_space<hbm>> -> memref<2048xi32, #tpu.memory_space<hbm>>
      %dma_start3A_100 = arith.constant 0 : i32
      %dma_start3A_101 = tpu.memref_slice %arg9[%dma_start3A_100] : memref<2048xi32, #tpu.memory_space<vmem>> -> memref<2048xi32, #tpu.memory_space<vmem>>
      %dma_start3A_102 = tpu.memref_slice %arg4[%add3A_1] : memref<320000xi32, #tpu.memory_space<hbm>> -> memref<2048xi32, #tpu.memory_space<hbm>>
      tpu.enqueue_dma source(%dma_start3A_102 : memref<2048xi32, #tpu.memory_space<hbm>>) target(%dma_start3A_101 : memref<2048xi32, #tpu.memory_space<vmem>>) target_semaphore(%arg16 : memref<!tpu.dma_semaphore, #tpu.memory_space<semaphore_mem>>)
    } else {
    }
    %mul3A_9 = arith.constant 640 : i32
    %mul3A_10 = arith.muli %arg1, %mul3A_9 : i32
    "tpu.region"() ({
      %run_scoped3A = tpu.sem_alloc : memref<!tpu.dma_semaphore, #tpu.memory_space<semaphore_mem>>
      %dma_start3A_91 = arith.constant 0 : i32
      %dma_start3A_92 = tpu.memref_slice %arg13[%mul3A_10, %dma_start3A_91] : memref<10240x128xf32, #tpu.memory_space<vmem_shared>> -> memref<640x128xf32, #tpu.memory_space<vmem_shared>>
      tpu.enqueue_dma source(%arg5 : memref<640x128xf32, #tpu.memory_space<hbm>>) target(%dma_start3A_92 : memref<640x128xf32, #tpu.memory_space<vmem_shared>>) target_semaphore(%run_scoped3A : memref<!tpu.dma_semaphore, #tpu.memory_space<semaphore_mem>>)
      %dma_wait3A_93 = arith.constant 0 : i32
      %dma_wait3A_94 = tpu.memref_slice %arg13[%mul3A_10, %dma_wait3A_93] : memref<10240x128xf32, #tpu.memory_space<vmem_shared>> -> memref<640x128xf32, #tpu.memory_space<vmem_shared>>
      tpu.wait_dma2 semaphore(%run_scoped3A : memref<!tpu.dma_semaphore, #tpu.memory_space<semaphore_mem>>) src(%arg5 : memref<640x128xf32, #tpu.memory_space<hbm>>) dst(%dma_wait3A_94 : memref<640x128xf32, #tpu.memory_space<vmem_shared>>)
      tpu.yield
    }) : () -> ()
    %barrier3A = arith.constant 0 : index
    tpu.barrier barrier_id(%barrier3A)
    %scan3A = arith.constant 0 : i32
    %scan3A_11 = arith.constant 0 : i32
    %scan3A_12 = arith.constant 9 : i32
    %scan3A_13 = arith.addi %scan3A_11, %scan3A_12 : i32
    %scan3A_14 = arith.constant 1 : i32
    scf.for %scan3A_91 = %scan3A_11 to %scan3A_13 step %scan3A_14  : i32 {
      %rem3A = arith.constant 2 : i32
      %rem3A_92 = arith.remsi %scan3A_91, %rem3A : i32
      %add3A_93 = arith.constant 1 : i32
      %add3A_94 = arith.addi %scan3A_91, %add3A_93 : i32
      %lt3A = arith.constant 9 : i32
      %lt3A_95 = arith.cmpi slt, %add3A_94, %lt3A : i32
      %convert_element_type3A_96 = arith.extui %lt3A_95 : i1 to i32
      %cond3A_97 = arith.constant 0 : i32
      %cond3A_98 = arith.cmpi ne, %convert_element_type3A_96, %cond3A_97 : i32
      scf.if %cond3A_98 {
        %eq3A_109 = arith.constant 0 : i32
        %eq3A_110 = arith.cmpi eq, %rem3A_92, %eq3A_109 : i32
        %convert_element_type3A_111 = arith.extui %eq3A_110 : i1 to i32
        %cond3A_112 = arith.constant 0 : i32
        %cond3A_113 = arith.cmpi ne, %convert_element_type3A_111, %cond3A_112 : i32
        scf.if %cond3A_113 {
          %add3A_119 = arith.constant 1 : i32
          %add3A_120 = arith.addi %scan3A_91, %add3A_119 : i32
          %mul3A_121 = arith.constant 20000 : i32
          %mul3A_122 = arith.muli %arg1, %mul3A_121 : i32
          %mul3A_123 = arith.constant 2048 : i32
          %mul3A_124 = arith.muli %add3A_120, %mul3A_123 : i32
          %add3A_125 = arith.addi %mul3A_122, %mul3A_124 : i32
          %eq3A_126 = arith.constant 0 : i32
          %eq3A_127 = arith.cmpi eq, %arg0, %eq3A_126 : i32
          %convert_element_type3A_128 = arith.extui %eq3A_127 : i1 to i32
          %cond3A_129 = arith.constant 0 : i32
          %cond3A_130 = arith.cmpi ne, %convert_element_type3A_128, %cond3A_129 : i32
          scf.if %cond3A_130 {
            %dma_start3A_136 = arith.constant 0 : i32
            %dma_start3A_137 = tpu.memref_slice %arg8[%dma_start3A_136] : memref<2048xi32, #tpu.memory_space<vmem>> -> memref<2048xi32, #tpu.memory_space<vmem>>
            %dma_start3A_138 = tpu.memref_slice %arg4[%add3A_125] : memref<320000xi32, #tpu.memory_space<hbm>> -> memref<2048xi32, #tpu.memory_space<hbm>>
            %dma_start3A_139 = arith.constant 0 : i32
            %dma_start3A_140 = tpu.memref_slice %arg8[%dma_start3A_139] : memref<2048xi32, #tpu.memory_space<vmem>> -> memref<2048xi32, #tpu.memory_space<vmem>>
            %dma_start3A_141 = tpu.memref_slice %arg4[%add3A_125] : memref<320000xi32, #tpu.memory_space<hbm>> -> memref<2048xi32, #tpu.memory_space<hbm>>
            tpu.enqueue_dma source(%dma_start3A_141 : memref<2048xi32, #tpu.memory_space<hbm>>) target(%dma_start3A_140 : memref<2048xi32, #tpu.memory_space<vmem>>) target_semaphore(%arg17 : memref<!tpu.dma_semaphore, #tpu.memory_space<semaphore_mem>>)
            %dma_start3A_142 = arith.constant 0 : i32
            %dma_start3A_143 = tpu.memref_slice %arg10[%dma_start3A_142] : memref<2048xi32, #tpu.memory_space<vmem>> -> memref<2048xi32, #tpu.memory_space<vmem>>
            %dma_start3A_144 = tpu.memref_slice %arg3[%add3A_125] : memref<320000xi32, #tpu.memory_space<hbm>> -> memref<2048xi32, #tpu.memory_space<hbm>>
            %dma_start3A_145 = arith.constant 0 : i32
            %dma_start3A_146 = tpu.memref_slice %arg10[%dma_start3A_145] : memref<2048xi32, #tpu.memory_space<vmem>> -> memref<2048xi32, #tpu.memory_space<vmem>>
            %dma_start3A_147 = tpu.memref_slice %arg3[%add3A_125] : memref<320000xi32, #tpu.memory_space<hbm>> -> memref<2048xi32, #tpu.memory_space<hbm>>
            tpu.enqueue_dma source(%dma_start3A_147 : memref<2048xi32, #tpu.memory_space<hbm>>) target(%dma_start3A_146 : memref<2048xi32, #tpu.memory_space<vmem>>) target_semaphore(%arg17 : memref<!tpu.dma_semaphore, #tpu.memory_space<semaphore_mem>>)
          } else {
          }
          %eq3A_131 = arith.constant 1 : i32
          %eq3A_132 = arith.cmpi eq, %arg0, %eq3A_131 : i32
          %convert_element_type3A_133 = arith.extui %eq3A_132 : i1 to i32
          %cond3A_134 = arith.constant 0 : i32
          %cond3A_135 = arith.cmpi ne, %convert_element_type3A_133, %cond3A_134 : i32
          scf.if %cond3A_135 {
            %dma_start3A_136 = arith.constant 0 : i32
            %dma_start3A_137 = tpu.memref_slice %arg8[%dma_start3A_136] : memref<2048xi32, #tpu.memory_space<vmem>> -> memref<2048xi32, #tpu.memory_space<vmem>>
            %dma_start3A_138 = tpu.memref_slice %arg3[%add3A_125] : memref<320000xi32, #tpu.memory_space<hbm>> -> memref<2048xi32, #tpu.memory_space<hbm>>
            %dma_start3A_139 = arith.constant 0 : i32
            %dma_start3A_140 = tpu.memref_slice %arg8[%dma_start3A_139] : memref<2048xi32, #tpu.memory_space<vmem>> -> memref<2048xi32, #tpu.memory_space<vmem>>
            %dma_start3A_141 = tpu.memref_slice %arg3[%add3A_125] : memref<320000xi32, #tpu.memory_space<hbm>> -> memref<2048xi32, #tpu.memory_space<hbm>>
            tpu.enqueue_dma source(%dma_start3A_141 : memref<2048xi32, #tpu.memory_space<hbm>>) target(%dma_start3A_140 : memref<2048xi32, #tpu.memory_space<vmem>>) target_semaphore(%arg17 : memref<!tpu.dma_semaphore, #tpu.memory_space<semaphore_mem>>)
            %dma_start3A_142 = arith.constant 0 : i32
            %dma_start3A_143 = tpu.memref_slice %arg10[%dma_start3A_142] : memref<2048xi32, #tpu.memory_space<vmem>> -> memref<2048xi32, #tpu.memory_space<vmem>>
            %dma_start3A_144 = tpu.memref_slice %arg4[%add3A_125] : memref<320000xi32, #tpu.memory_space<hbm>> -> memref<2048xi32, #tpu.memory_space<hbm>>
            %dma_start3A_145 = arith.constant 0 : i32
            %dma_start3A_146 = tpu.memref_slice %arg10[%dma_start3A_145] : memref<2048xi32, #tpu.memory_space<vmem>> -> memref<2048xi32, #tpu.memory_space<vmem>>
            %dma_start3A_147 = tpu.memref_slice %arg4[%add3A_125] : memref<320000xi32, #tpu.memory_space<hbm>> -> memref<2048xi32, #tpu.memory_space<hbm>>
            tpu.enqueue_dma source(%dma_start3A_147 : memref<2048xi32, #tpu.memory_space<hbm>>) target(%dma_start3A_146 : memref<2048xi32, #tpu.memory_space<vmem>>) target_semaphore(%arg17 : memref<!tpu.dma_semaphore, #tpu.memory_space<semaphore_mem>>)
          } else {
          }
        } else {
        }
        %eq3A_114 = arith.constant 1 : i32
        %eq3A_115 = arith.cmpi eq, %rem3A_92, %eq3A_114 : i32
        %convert_element_type3A_116 = arith.extui %eq3A_115 : i1 to i32
        %cond3A_117 = arith.constant 0 : i32
        %cond3A_118 = arith.cmpi ne, %convert_element_type3A_116, %cond3A_117 : i32
        scf.if %cond3A_118 {
          %add3A_119 = arith.constant 1 : i32
          %add3A_120 = arith.addi %scan3A_91, %add3A_119 : i32
          %mul3A_121 = arith.constant 20000 : i32
          %mul3A_122 = arith.muli %arg1, %mul3A_121 : i32
          %mul3A_123 = arith.constant 2048 : i32
          %mul3A_124 = arith.muli %add3A_120, %mul3A_123 : i32
          %add3A_125 = arith.addi %mul3A_122, %mul3A_124 : i32
          %eq3A_126 = arith.constant 0 : i32
          %eq3A_127 = arith.cmpi eq, %arg0, %eq3A_126 : i32
          %convert_element_type3A_128 = arith.extui %eq3A_127 : i1 to i32
          %cond3A_129 = arith.constant 0 : i32
          %cond3A_130 = arith.cmpi ne, %convert_element_type3A_128, %cond3A_129 : i32
          scf.if %cond3A_130 {
            %dma_start3A_136 = arith.constant 0 : i32
            %dma_start3A_137 = tpu.memref_slice %arg7[%dma_start3A_136] : memref<2048xi32, #tpu.memory_space<vmem>> -> memref<2048xi32, #tpu.memory_space<vmem>>
            %dma_start3A_138 = tpu.memref_slice %arg4[%add3A_125] : memref<320000xi32, #tpu.memory_space<hbm>> -> memref<2048xi32, #tpu.memory_space<hbm>>
            %dma_start3A_139 = arith.constant 0 : i32
            %dma_start3A_140 = tpu.memref_slice %arg7[%dma_start3A_139] : memref<2048xi32, #tpu.memory_space<vmem>> -> memref<2048xi32, #tpu.memory_space<vmem>>
            %dma_start3A_141 = tpu.memref_slice %arg4[%add3A_125] : memref<320000xi32, #tpu.memory_space<hbm>> -> memref<2048xi32, #tpu.memory_space<hbm>>
            tpu.enqueue_dma source(%dma_start3A_141 : memref<2048xi32, #tpu.memory_space<hbm>>) target(%dma_start3A_140 : memref<2048xi32, #tpu.memory_space<vmem>>) target_semaphore(%arg16 : memref<!tpu.dma_semaphore, #tpu.memory_space<semaphore_mem>>)
            %dma_start3A_142 = arith.constant 0 : i32
            %dma_start3A_143 = tpu.memref_slice %arg9[%dma_start3A_142] : memref<2048xi32, #tpu.memory_space<vmem>> -> memref<2048xi32, #tpu.memory_space<vmem>>
            %dma_start3A_144 = tpu.memref_slice %arg3[%add3A_125] : memref<320000xi32, #tpu.memory_space<hbm>> -> memref<2048xi32, #tpu.memory_space<hbm>>
            %dma_start3A_145 = arith.constant 0 : i32
            %dma_start3A_146 = tpu.memref_slice %arg9[%dma_start3A_145] : memref<2048xi32, #tpu.memory_space<vmem>> -> memref<2048xi32, #tpu.memory_space<vmem>>
            %dma_start3A_147 = tpu.memref_slice %arg3[%add3A_125] : memref<320000xi32, #tpu.memory_space<hbm>> -> memref<2048xi32, #tpu.memory_space<hbm>>
            tpu.enqueue_dma source(%dma_start3A_147 : memref<2048xi32, #tpu.memory_space<hbm>>) target(%dma_start3A_146 : memref<2048xi32, #tpu.memory_space<vmem>>) target_semaphore(%arg16 : memref<!tpu.dma_semaphore, #tpu.memory_space<semaphore_mem>>)
          } else {
          }
          %eq3A_131 = arith.constant 1 : i32
          %eq3A_132 = arith.cmpi eq, %arg0, %eq3A_131 : i32
          %convert_element_type3A_133 = arith.extui %eq3A_132 : i1 to i32
          %cond3A_134 = arith.constant 0 : i32
          %cond3A_135 = arith.cmpi ne, %convert_element_type3A_133, %cond3A_134 : i32
          scf.if %cond3A_135 {
            %dma_start3A_136 = arith.constant 0 : i32
            %dma_start3A_137 = tpu.memref_slice %arg7[%dma_start3A_136] : memref<2048xi32, #tpu.memory_space<vmem>> -> memref<2048xi32, #tpu.memory_space<vmem>>
            %dma_start3A_138 = tpu.memref_slice %arg3[%add3A_125] : memref<320000xi32, #tpu.memory_space<hbm>> -> memref<2048xi32, #tpu.memory_space<hbm>>
            %dma_start3A_139 = arith.constant 0 : i32
            %dma_start3A_140 = tpu.memref_slice %arg7[%dma_start3A_139] : memref<2048xi32, #tpu.memory_space<vmem>> -> memref<2048xi32, #tpu.memory_space<vmem>>
            %dma_start3A_141 = tpu.memref_slice %arg3[%add3A_125] : memref<320000xi32, #tpu.memory_space<hbm>> -> memref<2048xi32, #tpu.memory_space<hbm>>
            tpu.enqueue_dma source(%dma_start3A_141 : memref<2048xi32, #tpu.memory_space<hbm>>) target(%dma_start3A_140 : memref<2048xi32, #tpu.memory_space<vmem>>) target_semaphore(%arg16 : memref<!tpu.dma_semaphore, #tpu.memory_space<semaphore_mem>>)
            %dma_start3A_142 = arith.constant 0 : i32
            %dma_start3A_143 = tpu.memref_slice %arg9[%dma_start3A_142] : memref<2048xi32, #tpu.memory_space<vmem>> -> memref<2048xi32, #tpu.memory_space<vmem>>
            %dma_start3A_144 = tpu.memref_slice %arg4[%add3A_125] : memref<320000xi32, #tpu.memory_space<hbm>> -> memref<2048xi32, #tpu.memory_space<hbm>>
            %dma_start3A_145 = arith.constant 0 : i32
            %dma_start3A_146 = tpu.memref_slice %arg9[%dma_start3A_145] : memref<2048xi32, #tpu.memory_space<vmem>> -> memref<2048xi32, #tpu.memory_space<vmem>>
            %dma_start3A_147 = tpu.memref_slice %arg4[%add3A_125] : memref<320000xi32, #tpu.memory_space<hbm>> -> memref<2048xi32, #tpu.memory_space<hbm>>
            tpu.enqueue_dma source(%dma_start3A_147 : memref<2048xi32, #tpu.memory_space<hbm>>) target(%dma_start3A_146 : memref<2048xi32, #tpu.memory_space<vmem>>) target_semaphore(%arg16 : memref<!tpu.dma_semaphore, #tpu.memory_space<semaphore_mem>>)
          } else {
          }
        } else {
        }
      } else {
      }
      %eq3A_99 = arith.constant 0 : i32
      %eq3A_100 = arith.cmpi eq, %rem3A_92, %eq3A_99 : i32
      %convert_element_type3A_101 = arith.extui %eq3A_100 : i1 to i32
      %cond3A_102 = arith.constant 0 : i32
      %cond3A_103 = arith.cmpi ne, %convert_element_type3A_101, %cond3A_102 : i32
      scf.if %cond3A_103 {
        %mul3A_109 = arith.constant 20000 : i32
        %mul3A_110 = arith.muli %arg1, %mul3A_109 : i32
        %mul3A_111 = arith.constant 2048 : i32
        %mul3A_112 = arith.muli %scan3A_91, %mul3A_111 : i32
        %add3A_113 = arith.addi %mul3A_110, %mul3A_112 : i32
        %dma_wait3A_114 = arith.constant 0 : i32
        %dma_wait3A_115 = tpu.memref_slice %arg7[%dma_wait3A_114] : memref<2048xi32, #tpu.memory_space<vmem>> -> memref<2048xi32, #tpu.memory_space<vmem>>
        %dma_wait3A_116 = tpu.memref_slice %arg3[%add3A_113] : memref<320000xi32, #tpu.memory_space<hbm>> -> memref<2048xi32, #tpu.memory_space<hbm>>
        %dma_wait3A_117 = arith.constant 0 : i32
        %dma_wait3A_118 = tpu.memref_slice %arg7[%dma_wait3A_117] : memref<2048xi32, #tpu.memory_space<vmem>> -> memref<2048xi32, #tpu.memory_space<vmem>>
        %dma_wait3A_119 = tpu.memref_slice %arg3[%add3A_113] : memref<320000xi32, #tpu.memory_space<hbm>> -> memref<2048xi32, #tpu.memory_space<hbm>>
        tpu.wait_dma2 semaphore(%arg16 : memref<!tpu.dma_semaphore, #tpu.memory_space<semaphore_mem>>) src(%dma_wait3A_119 : memref<2048xi32, #tpu.memory_space<hbm>>) dst(%dma_wait3A_118 : memref<2048xi32, #tpu.memory_space<vmem>>)
        %dma_wait3A_120 = arith.constant 0 : i32
        %dma_wait3A_121 = tpu.memref_slice %arg9[%dma_wait3A_120] : memref<2048xi32, #tpu.memory_space<vmem>> -> memref<2048xi32, #tpu.memory_space<vmem>>
        %dma_wait3A_122 = tpu.memref_slice %arg3[%add3A_113] : memref<320000xi32, #tpu.memory_space<hbm>> -> memref<2048xi32, #tpu.memory_space<hbm>>
        %dma_wait3A_123 = arith.constant 0 : i32
        %dma_wait3A_124 = tpu.memref_slice %arg9[%dma_wait3A_123] : memref<2048xi32, #tpu.memory_space<vmem>> -> memref<2048xi32, #tpu.memory_space<vmem>>
        %dma_wait3A_125 = tpu.memref_slice %arg3[%add3A_113] : memref<320000xi32, #tpu.memory_space<hbm>> -> memref<2048xi32, #tpu.memory_space<hbm>>
        tpu.wait_dma2 semaphore(%arg16 : memref<!tpu.dma_semaphore, #tpu.memory_space<semaphore_mem>>) src(%dma_wait3A_125 : memref<2048xi32, #tpu.memory_space<hbm>>) dst(%dma_wait3A_124 : memref<2048xi32, #tpu.memory_space<vmem>>)
        %dma_start3A_126 = arith.constant 0 : i32
        %dma_start3A_127 = arith.constant 0 : i32
        %dma_start3A_128 = tpu.memref_slice %arg11[%dma_start3A_126, %dma_start3A_127] : memref<128x128xf32, #tpu.memory_space<vmem>> -> memref<128x128xf32, #tpu.memory_space<vmem>>
        %dma_start3A_129 = arith.constant 0 : i32
        %dma_start3A_130 = tpu.memref_slice %arg7[%dma_start3A_129] : memref<2048xi32, #tpu.memory_space<vmem>> -> memref<128xi32, #tpu.memory_space<vmem>>
        %dma_start3A_131 = arith.constant 0 : i32
        %dma_start3A_132 = arith.constant 0 : i32
        %dma_start3A_133 = tpu.memref_slice %arg2[%arg0, %dma_start3A_131, %dma_start3A_132] : memref<2x10240x128xf32, #tpu.memory_space<hbm>> -> memref<1x10240x128xf32, #tpu.memory_space<hbm>>
        %dma_start3A_134 = tpu.memref_squeeze %dma_start3A_133 : memref<1x10240x128xf32, #tpu.memory_space<hbm>> -> memref<10240x128xf32, #tpu.memory_space<hbm>>
        %dma_start3A_135 = arith.constant 0 : i32
        %dma_start3A_136 = arith.constant 0 : i32
        %dma_start3A_137 = tpu.memref_slice %dma_start3A_134[%dma_start3A_135, %dma_start3A_136] : memref<10240x128xf32, #tpu.memory_space<hbm>> -> memref<10240x128xf32, #tpu.memory_space<hbm>>
        tpu.enqueue_indirect_dma source(%dma_start3A_137 : memref<10240x128xf32, #tpu.memory_space<hbm>>) target(%dma_start3A_128 : memref<128x128xf32, #tpu.memory_space<vmem>>) offsets(%dma_start3A_130 : memref<128xi32, #tpu.memory_space<vmem>>) semaphore(%arg14 : memref<!tpu.dma_semaphore, #tpu.memory_space<semaphore_mem>>)
        %scan3A_138 = arith.constant 0 : i32
        %scan3A_139 = arith.constant 0 : i32
        %scan3A_140 = arith.constant 8 : i32
        %scan3A_141 = arith.addi %scan3A_139, %scan3A_140 : i32
        %scan3A_142 = arith.constant 1 : i32
        scf.for %scan3A_144 = %scan3A_139 to %scan3A_141 step %scan3A_142  : i32 {
          %mul3A_145 = arith.constant 2 : i32
          %mul3A_146 = arith.muli %mul3A_145, %scan3A_144 : i32
          %add3A_147 = arith.constant 1 : i32
          %add3A_148 = arith.addi %mul3A_146, %add3A_147 : i32
          %mul3A_149 = arith.constant 128 : i32
          %mul3A_150 = arith.muli %add3A_148, %mul3A_149 : i32
          %dma_start3A_151 = arith.constant 0 : i32
          %dma_start3A_152 = arith.constant 0 : i32
          %dma_start3A_153 = tpu.memref_slice %arg12[%dma_start3A_151, %dma_start3A_152] : memref<128x128xf32, #tpu.memory_space<vmem>> -> memref<128x128xf32, #tpu.memory_space<vmem>>
          %dma_start3A_154 = tpu.memref_slice %arg7[%mul3A_150] : memref<2048xi32, #tpu.memory_space<vmem>> -> memref<128xi32, #tpu.memory_space<vmem>>
          %dma_start3A_155 = arith.constant 0 : i32
          %dma_start3A_156 = arith.constant 0 : i32
          %dma_start3A_157 = tpu.memref_slice %arg2[%arg0, %dma_start3A_155, %dma_start3A_156] : memref<2x10240x128xf32, #tpu.memory_space<hbm>> -> memref<1x10240x128xf32, #tpu.memory_space<hbm>>
          %dma_start3A_158 = tpu.memref_squeeze %dma_start3A_157 : memref<1x10240x128xf32, #tpu.memory_space<hbm>> -> memref<10240x128xf32, #tpu.memory_space<hbm>>
          %dma_start3A_159 = arith.constant 0 : i32
          %dma_start3A_160 = arith.constant 0 : i32
          %dma_start3A_161 = tpu.memref_slice %dma_start3A_158[%dma_start3A_159, %dma_start3A_160] : memref<10240x128xf32, #tpu.memory_space<hbm>> -> memref<10240x128xf32, #tpu.memory_space<hbm>>
          tpu.enqueue_indirect_dma source(%dma_start3A_161 : memref<10240x128xf32, #tpu.memory_space<hbm>>) target(%dma_start3A_153 : memref<128x128xf32, #tpu.memory_space<vmem>>) offsets(%dma_start3A_154 : memref<128xi32, #tpu.memory_space<vmem>>) semaphore(%arg15 : memref<!tpu.dma_semaphore, #tpu.memory_space<semaphore_mem>>)
          %mul3A_162 = arith.constant 128 : i32
          %mul3A_163 = arith.muli %mul3A_146, %mul3A_162 : i32
          %dma_wait3A_164 = arith.constant 0 : i32
          %dma_wait3A_165 = arith.constant 0 : i32
          %dma_wait3A_166 = tpu.memref_slice %arg11[%dma_wait3A_164, %dma_wait3A_165] : memref<128x128xf32, #tpu.memory_space<vmem>> -> memref<128x128xf32, #tpu.memory_space<vmem>>
          %dma_wait3A_167 = tpu.memref_slice %arg7[%mul3A_163] : memref<2048xi32, #tpu.memory_space<vmem>> -> memref<128xi32, #tpu.memory_space<vmem>>
          %dma_wait3A_168 = arith.constant 0 : i32
          %dma_wait3A_169 = arith.constant 0 : i32
          %dma_wait3A_170 = tpu.memref_slice %arg2[%arg0, %dma_wait3A_168, %dma_wait3A_169] : memref<2x10240x128xf32, #tpu.memory_space<hbm>> -> memref<1x10240x128xf32, #tpu.memory_space<hbm>>
          %dma_wait3A_171 = tpu.memref_squeeze %dma_wait3A_170 : memref<1x10240x128xf32, #tpu.memory_space<hbm>> -> memref<10240x128xf32, #tpu.memory_space<hbm>>
          %dma_wait3A_172 = arith.constant 0 : i32
          %dma_wait3A_173 = arith.constant 0 : i32
          %dma_wait3A_174 = tpu.memref_slice %dma_wait3A_171[%dma_wait3A_172, %dma_wait3A_173] : memref<10240x128xf32, #tpu.memory_space<hbm>> -> memref<10240x128xf32, #tpu.memory_space<hbm>>
          tpu.wait_indirect_dma semaphore(%arg14 : memref<!tpu.dma_semaphore, #tpu.memory_space<semaphore_mem>>) src(%dma_wait3A_174 : memref<10240x128xf32, #tpu.memory_space<hbm>>) dst(%dma_wait3A_166 : memref<128x128xf32, #tpu.memory_space<vmem>>)
          %mul3A_175 = arith.constant 128 : i32
          %mul3A_176 = arith.muli %mul3A_146, %mul3A_175 : i32
          "tpu.region"() ({
            %run_scoped3A = tpu.sem_alloc : memref<!tpu.dma_semaphore, #tpu.memory_space<semaphore_mem>>
            %dma_start3A_199 = arith.constant 0 : i32
            %dma_start3A_200 = arith.constant 0 : i32
            %dma_start3A_201 = tpu.memref_slice %arg11[%dma_start3A_199, %dma_start3A_200] : memref<128x128xf32, #tpu.memory_space<vmem>> -> memref<128x128xf32, #tpu.memory_space<vmem>>
            %dma_start3A_202 = tpu.memref_slice %arg9[%mul3A_176] : memref<2048xi32, #tpu.memory_space<vmem>> -> memref<128xi32, #tpu.memory_space<vmem>>
            %dma_start3A_203 = arith.constant 0 : i32
            %dma_start3A_204 = arith.constant 0 : i32
            %dma_start3A_205 = tpu.memref_slice %arg13[%dma_start3A_203, %dma_start3A_204] : memref<10240x128xf32, #tpu.memory_space<vmem_shared>> -> memref<10240x128xf32, #tpu.memory_space<vmem_shared>>
            tpu.enqueue_indirect_dma source(%dma_start3A_201 : memref<128x128xf32, #tpu.memory_space<vmem>>) target(%dma_start3A_205 : memref<10240x128xf32, #tpu.memory_space<vmem_shared>>) offsets(%dma_start3A_202 : memref<128xi32, #tpu.memory_space<vmem>>) semaphore(%run_scoped3A : memref<!tpu.dma_semaphore, #tpu.memory_space<semaphore_mem>>) {add = true}
            %dma_wait3A_206 = arith.constant 0 : i32
            %dma_wait3A_207 = arith.constant 0 : i32
            %dma_wait3A_208 = tpu.memref_slice %arg11[%dma_wait3A_206, %dma_wait3A_207] : memref<128x128xf32, #tpu.memory_space<vmem>> -> memref<128x128xf32, #tpu.memory_space<vmem>>
            %dma_wait3A_209 = tpu.memref_slice %arg9[%mul3A_176] : memref<2048xi32, #tpu.memory_space<vmem>> -> memref<128xi32, #tpu.memory_space<vmem>>
            %dma_wait3A_210 = arith.constant 0 : i32
            %dma_wait3A_211 = arith.constant 0 : i32
            %dma_wait3A_212 = tpu.memref_slice %arg13[%dma_wait3A_210, %dma_wait3A_211] : memref<10240x128xf32, #tpu.memory_space<vmem_shared>> -> memref<10240x128xf32, #tpu.memory_space<vmem_shared>>
            tpu.wait_indirect_dma semaphore(%run_scoped3A : memref<!tpu.dma_semaphore, #tpu.memory_space<semaphore_mem>>) src(%dma_wait3A_208 : memref<128x128xf32, #tpu.memory_space<vmem>>) dst(%dma_wait3A_212 : memref<10240x128xf32, #tpu.memory_space<vmem_shared>>)
            tpu.yield
          }) : () -> ()
          %lt3A_177 = arith.constant 7 : i32
          %lt3A_178 = arith.cmpi slt, %scan3A_144, %lt3A_177 : i32
          %convert_element_type3A_179 = arith.extui %lt3A_178 : i1 to i32
          %cond3A_180 = arith.constant 0 : i32
          %cond3A_181 = arith.cmpi ne, %convert_element_type3A_179, %cond3A_180 : i32
          scf.if %cond3A_181 {
            %add3A_199 = arith.constant 2 : i32
            %add3A_200 = arith.addi %mul3A_146, %add3A_199 : i32
            %mul3A_201 = arith.constant 128 : i32
            %mul3A_202 = arith.muli %add3A_200, %mul3A_201 : i32
            %dma_start3A_203 = arith.constant 0 : i32
            %dma_start3A_204 = arith.constant 0 : i32
            %dma_start3A_205 = tpu.memref_slice %arg11[%dma_start3A_203, %dma_start3A_204] : memref<128x128xf32, #tpu.memory_space<vmem>> -> memref<128x128xf32, #tpu.memory_space<vmem>>
            %dma_start3A_206 = tpu.memref_slice %arg7[%mul3A_202] : memref<2048xi32, #tpu.memory_space<vmem>> -> memref<128xi32, #tpu.memory_space<vmem>>
            %dma_start3A_207 = arith.constant 0 : i32
            %dma_start3A_208 = arith.constant 0 : i32
            %dma_start3A_209 = tpu.memref_slice %arg2[%arg0, %dma_start3A_207, %dma_start3A_208] : memref<2x10240x128xf32, #tpu.memory_space<hbm>> -> memref<1x10240x128xf32, #tpu.memory_space<hbm>>
            %dma_start3A_210 = tpu.memref_squeeze %dma_start3A_209 : memref<1x10240x128xf32, #tpu.memory_space<hbm>> -> memref<10240x128xf32, #tpu.memory_space<hbm>>
            %dma_start3A_211 = arith.constant 0 : i32
            %dma_start3A_212 = arith.constant 0 : i32
            %dma_start3A_213 = tpu.memref_slice %dma_start3A_210[%dma_start3A_211, %dma_start3A_212] : memref<10240x128xf32, #tpu.memory_space<hbm>> -> memref<10240x128xf32, #tpu.memory_space<hbm>>
            tpu.enqueue_indirect_dma source(%dma_start3A_213 : memref<10240x128xf32, #tpu.memory_space<hbm>>) target(%dma_start3A_205 : memref<128x128xf32, #tpu.memory_space<vmem>>) offsets(%dma_start3A_206 : memref<128xi32, #tpu.memory_space<vmem>>) semaphore(%arg14 : memref<!tpu.dma_semaphore, #tpu.memory_space<semaphore_mem>>)
          } else {
          }
          %add3A_182 = arith.constant 1 : i32
          %add3A_183 = arith.addi %mul3A_146, %add3A_182 : i32
          %mul3A_184 = arith.constant 128 : i32
          %mul3A_185 = arith.muli %add3A_183, %mul3A_184 : i32
          %dma_wait3A_186 = arith.constant 0 : i32
          %dma_wait3A_187 = arith.constant 0 : i32
          %dma_wait3A_188 = tpu.memref_slice %arg12[%dma_wait3A_186, %dma_wait3A_187] : memref<128x128xf32, #tpu.memory_space<vmem>> -> memref<128x128xf32, #tpu.memory_space<vmem>>
          %dma_wait3A_189 = tpu.memref_slice %arg7[%mul3A_185] : memref<2048xi32, #tpu.memory_space<vmem>> -> memref<128xi32, #tpu.memory_space<vmem>>
          %dma_wait3A_190 = arith.constant 0 : i32
          %dma_wait3A_191 = arith.constant 0 : i32
          %dma_wait3A_192 = tpu.memref_slice %arg2[%arg0, %dma_wait3A_190, %dma_wait3A_191] : memref<2x10240x128xf32, #tpu.memory_space<hbm>> -> memref<1x10240x128xf32, #tpu.memory_space<hbm>>
          %dma_wait3A_193 = tpu.memref_squeeze %dma_wait3A_192 : memref<1x10240x128xf32, #tpu.memory_space<hbm>> -> memref<10240x128xf32, #tpu.memory_space<hbm>>
          %dma_wait3A_194 = arith.constant 0 : i32
          %dma_wait3A_195 = arith.constant 0 : i32
          %dma_wait3A_196 = tpu.memref_slice %dma_wait3A_193[%dma_wait3A_194, %dma_wait3A_195] : memref<10240x128xf32, #tpu.memory_space<hbm>> -> memref<10240x128xf32, #tpu.memory_space<hbm>>
          tpu.wait_indirect_dma semaphore(%arg15 : memref<!tpu.dma_semaphore, #tpu.memory_space<semaphore_mem>>) src(%dma_wait3A_196 : memref<10240x128xf32, #tpu.memory_space<hbm>>) dst(%dma_wait3A_188 : memref<128x128xf32, #tpu.memory_space<vmem>>)
          %mul3A_197 = arith.constant 128 : i32
          %mul3A_198 = arith.muli %add3A_183, %mul3A_197 : i32
          "tpu.region"() ({
            %run_scoped3A = tpu.sem_alloc : memref<!tpu.dma_semaphore, #tpu.memory_space<semaphore_mem>>
            %dma_start3A_199 = arith.constant 0 : i32
            %dma_start3A_200 = arith.constant 0 : i32
            %dma_start3A_201 = tpu.memref_slice %arg12[%dma_start3A_199, %dma_start3A_200] : memref<128x128xf32, #tpu.memory_space<vmem>> -> memref<128x128xf32, #tpu.memory_space<vmem>>
            %dma_start3A_202 = tpu.memref_slice %arg9[%mul3A_198] : memref<2048xi32, #tpu.memory_space<vmem>> -> memref<128xi32, #tpu.memory_space<vmem>>
            %dma_start3A_203 = arith.constant 0 : i32
            %dma_start3A_204 = arith.constant 0 : i32
            %dma_start3A_205 = tpu.memref_slice %arg13[%dma_start3A_203, %dma_start3A_204] : memref<10240x128xf32, #tpu.memory_space<vmem_shared>> -> memref<10240x128xf32, #tpu.memory_space<vmem_shared>>
            tpu.enqueue_indirect_dma source(%dma_start3A_201 : memref<128x128xf32, #tpu.memory_space<vmem>>) target(%dma_start3A_205 : memref<10240x128xf32, #tpu.memory_space<vmem_shared>>) offsets(%dma_start3A_202 : memref<128xi32, #tpu.memory_space<vmem>>) semaphore(%run_scoped3A : memref<!tpu.dma_semaphore, #tpu.memory_space<semaphore_mem>>) {add = true}
            %dma_wait3A_206 = arith.constant 0 : i32
            %dma_wait3A_207 = arith.constant 0 : i32
            %dma_wait3A_208 = tpu.memref_slice %arg12[%dma_wait3A_206, %dma_wait3A_207] : memref<128x128xf32, #tpu.memory_space<vmem>> -> memref<128x128xf32, #tpu.memory_space<vmem>>
            %dma_wait3A_209 = tpu.memref_slice %arg9[%mul3A_198] : memref<2048xi32, #tpu.memory_space<vmem>> -> memref<128xi32, #tpu.memory_space<vmem>>
            %dma_wait3A_210 = arith.constant 0 : i32
            %dma_wait3A_211 = arith.constant 0 : i32
            %dma_wait3A_212 = tpu.memref_slice %arg13[%dma_wait3A_210, %dma_wait3A_211] : memref<10240x128xf32, #tpu.memory_space<vmem_shared>> -> memref<10240x128xf32, #tpu.memory_space<vmem_shared>>
            tpu.wait_indirect_dma semaphore(%run_scoped3A : memref<!tpu.dma_semaphore, #tpu.memory_space<semaphore_mem>>) src(%dma_wait3A_208 : memref<128x128xf32, #tpu.memory_space<vmem>>) dst(%dma_wait3A_212 : memref<10240x128xf32, #tpu.memory_space<vmem_shared>>)
            tpu.yield
          }) : () -> ()
        }
        %scan3A_143 = arith.constant 8 : i32
      } else {
      }
      %eq3A_104 = arith.constant 1 : i32
      %eq3A_105 = arith.cmpi eq, %rem3A_92, %eq3A_104 : i32
      %convert_element_type3A_106 = arith.extui %eq3A_105 : i1 to i32
      %cond3A_107 = arith.constant 0 : i32
      %cond3A_108 = arith.cmpi ne, %convert_element_type3A_106, %cond3A_107 : i32
      scf.if %cond3A_108 {
        %mul3A_109 = arith.constant 20000 : i32
        %mul3A_110 = arith.muli %arg1, %mul3A_109 : i32
        %mul3A_111 = arith.constant 2048 : i32
        %mul3A_112 = arith.muli %scan3A_91, %mul3A_111 : i32
        %add3A_113 = arith.addi %mul3A_110, %mul3A_112 : i32
        %dma_wait3A_114 = arith.constant 0 : i32
        %dma_wait3A_115 = tpu.memref_slice %arg8[%dma_wait3A_114] : memref<2048xi32, #tpu.memory_space<vmem>> -> memref<2048xi32, #tpu.memory_space<vmem>>
        %dma_wait3A_116 = tpu.memref_slice %arg3[%add3A_113] : memref<320000xi32, #tpu.memory_space<hbm>> -> memref<2048xi32, #tpu.memory_space<hbm>>
        %dma_wait3A_117 = arith.constant 0 : i32
        %dma_wait3A_118 = tpu.memref_slice %arg8[%dma_wait3A_117] : memref<2048xi32, #tpu.memory_space<vmem>> -> memref<2048xi32, #tpu.memory_space<vmem>>
        %dma_wait3A_119 = tpu.memref_slice %arg3[%add3A_113] : memref<320000xi32, #tpu.memory_space<hbm>> -> memref<2048xi32, #tpu.memory_space<hbm>>
        tpu.wait_dma2 semaphore(%arg17 : memref<!tpu.dma_semaphore, #tpu.memory_space<semaphore_mem>>) src(%dma_wait3A_119 : memref<2048xi32, #tpu.memory_space<hbm>>) dst(%dma_wait3A_118 : memref<2048xi32, #tpu.memory_space<vmem>>)
        %dma_wait3A_120 = arith.constant 0 : i32
        %dma_wait3A_121 = tpu.memref_slice %arg10[%dma_wait3A_120] : memref<2048xi32, #tpu.memory_space<vmem>> -> memref<2048xi32, #tpu.memory_space<vmem>>
        %dma_wait3A_122 = tpu.memref_slice %arg3[%add3A_113] : memref<320000xi32, #tpu.memory_space<hbm>> -> memref<2048xi32, #tpu.memory_space<hbm>>
        %dma_wait3A_123 = arith.constant 0 : i32
        %dma_wait3A_124 = tpu.memref_slice %arg10[%dma_wait3A_123] : memref<2048xi32, #tpu.memory_space<vmem>> -> memref<2048xi32, #tpu.memory_space<vmem>>
        %dma_wait3A_125 = tpu.memref_slice %arg3[%add3A_113] : memref<320000xi32, #tpu.memory_space<hbm>> -> memref<2048xi32, #tpu.memory_space<hbm>>
        tpu.wait_dma2 semaphore(%arg17 : memref<!tpu.dma_semaphore, #tpu.memory_space<semaphore_mem>>) src(%dma_wait3A_125 : memref<2048xi32, #tpu.memory_space<hbm>>) dst(%dma_wait3A_124 : memref<2048xi32, #tpu.memory_space<vmem>>)
        %dma_start3A_126 = arith.constant 0 : i32
        %dma_start3A_127 = arith.constant 0 : i32
        %dma_start3A_128 = tpu.memref_slice %arg11[%dma_start3A_126, %dma_start3A_127] : memref<128x128xf32, #tpu.memory_space<vmem>> -> memref<128x128xf32, #tpu.memory_space<vmem>>
        %dma_start3A_129 = arith.constant 0 : i32
        %dma_start3A_130 = tpu.memref_slice %arg8[%dma_start3A_129] : memref<2048xi32, #tpu.memory_space<vmem>> -> memref<128xi32, #tpu.memory_space<vmem>>
        %dma_start3A_131 = arith.constant 0 : i32
        %dma_start3A_132 = arith.constant 0 : i32
        %dma_start3A_133 = tpu.memref_slice %arg2[%arg0, %dma_start3A_131, %dma_start3A_132] : memref<2x10240x128xf32, #tpu.memory_space<hbm>> -> memref<1x10240x128xf32, #tpu.memory_space<hbm>>
        %dma_start3A_134 = tpu.memref_squeeze %dma_start3A_133 : memref<1x10240x128xf32, #tpu.memory_space<hbm>> -> memref<10240x128xf32, #tpu.memory_space<hbm>>
        %dma_start3A_135 = arith.constant 0 : i32
        %dma_start3A_136 = arith.constant 0 : i32
        %dma_start3A_137 = tpu.memref_slice %dma_start3A_134[%dma_start3A_135, %dma_start3A_136] : memref<10240x128xf32, #tpu.memory_space<hbm>> -> memref<10240x128xf32, #tpu.memory_space<hbm>>
        tpu.enqueue_indirect_dma source(%dma_start3A_137 : memref<10240x128xf32, #tpu.memory_space<hbm>>) target(%dma_start3A_128 : memref<128x128xf32, #tpu.memory_space<vmem>>) offsets(%dma_start3A_130 : memref<128xi32, #tpu.memory_space<vmem>>) semaphore(%arg14 : memref<!tpu.dma_semaphore, #tpu.memory_space<semaphore_mem>>)
        %scan3A_138 = arith.constant 0 : i32
        %scan3A_139 = arith.constant 0 : i32
        %scan3A_140 = arith.constant 8 : i32
        %scan3A_141 = arith.addi %scan3A_139, %scan3A_140 : i32
        %scan3A_142 = arith.constant 1 : i32
        scf.for %scan3A_144 = %scan3A_139 to %scan3A_141 step %scan3A_142  : i32 {
          %mul3A_145 = arith.constant 2 : i32
          %mul3A_146 = arith.muli %mul3A_145, %scan3A_144 : i32
          %add3A_147 = arith.constant 1 : i32
          %add3A_148 = arith.addi %mul3A_146, %add3A_147 : i32
          %mul3A_149 = arith.constant 128 : i32
          %mul3A_150 = arith.muli %add3A_148, %mul3A_149 : i32
          %dma_start3A_151 = arith.constant 0 : i32
          %dma_start3A_152 = arith.constant 0 : i32
          %dma_start3A_153 = tpu.memref_slice %arg12[%dma_start3A_151, %dma_start3A_152] : memref<128x128xf32, #tpu.memory_space<vmem>> -> memref<128x128xf32, #tpu.memory_space<vmem>>
          %dma_start3A_154 = tpu.memref_slice %arg8[%mul3A_150] : memref<2048xi32, #tpu.memory_space<vmem>> -> memref<128xi32, #tpu.memory_space<vmem>>
          %dma_start3A_155 = arith.constant 0 : i32
          %dma_start3A_156 = arith.constant 0 : i32
          %dma_start3A_157 = tpu.memref_slice %arg2[%arg0, %dma_start3A_155, %dma_start3A_156] : memref<2x10240x128xf32, #tpu.memory_space<hbm>> -> memref<1x10240x128xf32, #tpu.memory_space<hbm>>
          %dma_start3A_158 = tpu.memref_squeeze %dma_start3A_157 : memref<1x10240x128xf32, #tpu.memory_space<hbm>> -> memref<10240x128xf32, #tpu.memory_space<hbm>>
          %dma_start3A_159 = arith.constant 0 : i32
          %dma_start3A_160 = arith.constant 0 : i32
          %dma_start3A_161 = tpu.memref_slice %dma_start3A_158[%dma_start3A_159, %dma_start3A_160] : memref<10240x128xf32, #tpu.memory_space<hbm>> -> memref<10240x128xf32, #tpu.memory_space<hbm>>
          tpu.enqueue_indirect_dma source(%dma_start3A_161 : memref<10240x128xf32, #tpu.memory_space<hbm>>) target(%dma_start3A_153 : memref<128x128xf32, #tpu.memory_space<vmem>>) offsets(%dma_start3A_154 : memref<128xi32, #tpu.memory_space<vmem>>) semaphore(%arg15 : memref<!tpu.dma_semaphore, #tpu.memory_space<semaphore_mem>>)
          %mul3A_162 = arith.constant 128 : i32
          %mul3A_163 = arith.muli %mul3A_146, %mul3A_162 : i32
          %dma_wait3A_164 = arith.constant 0 : i32
          %dma_wait3A_165 = arith.constant 0 : i32
          %dma_wait3A_166 = tpu.memref_slice %arg11[%dma_wait3A_164, %dma_wait3A_165] : memref<128x128xf32, #tpu.memory_space<vmem>> -> memref<128x128xf32, #tpu.memory_space<vmem>>
          %dma_wait3A_167 = tpu.memref_slice %arg8[%mul3A_163] : memref<2048xi32, #tpu.memory_space<vmem>> -> memref<128xi32, #tpu.memory_space<vmem>>
          %dma_wait3A_168 = arith.constant 0 : i32
          %dma_wait3A_169 = arith.constant 0 : i32
          %dma_wait3A_170 = tpu.memref_slice %arg2[%arg0, %dma_wait3A_168, %dma_wait3A_169] : memref<2x10240x128xf32, #tpu.memory_space<hbm>> -> memref<1x10240x128xf32, #tpu.memory_space<hbm>>
          %dma_wait3A_171 = tpu.memref_squeeze %dma_wait3A_170 : memref<1x10240x128xf32, #tpu.memory_space<hbm>> -> memref<10240x128xf32, #tpu.memory_space<hbm>>
          %dma_wait3A_172 = arith.constant 0 : i32
          %dma_wait3A_173 = arith.constant 0 : i32
          %dma_wait3A_174 = tpu.memref_slice %dma_wait3A_171[%dma_wait3A_172, %dma_wait3A_173] : memref<10240x128xf32, #tpu.memory_space<hbm>> -> memref<10240x128xf32, #tpu.memory_space<hbm>>
          tpu.wait_indirect_dma semaphore(%arg14 : memref<!tpu.dma_semaphore, #tpu.memory_space<semaphore_mem>>) src(%dma_wait3A_174 : memref<10240x128xf32, #tpu.memory_space<hbm>>) dst(%dma_wait3A_166 : memref<128x128xf32, #tpu.memory_space<vmem>>)
          %mul3A_175 = arith.constant 128 : i32
          %mul3A_176 = arith.muli %mul3A_146, %mul3A_175 : i32
          "tpu.region"() ({
            %run_scoped3A = tpu.sem_alloc : memref<!tpu.dma_semaphore, #tpu.memory_space<semaphore_mem>>
            %dma_start3A_199 = arith.constant 0 : i32
            %dma_start3A_200 = arith.constant 0 : i32
            %dma_start3A_201 = tpu.memref_slice %arg11[%dma_start3A_199, %dma_start3A_200] : memref<128x128xf32, #tpu.memory_space<vmem>> -> memref<128x128xf32, #tpu.memory_space<vmem>>
            %dma_start3A_202 = tpu.memref_slice %arg10[%mul3A_176] : memref<2048xi32, #tpu.memory_space<vmem>> -> memref<128xi32, #tpu.memory_space<vmem>>
            %dma_start3A_203 = arith.constant 0 : i32
            %dma_start3A_204 = arith.constant 0 : i32
            %dma_start3A_205 = tpu.memref_slice %arg13[%dma_start3A_203, %dma_start3A_204] : memref<10240x128xf32, #tpu.memory_space<vmem_shared>> -> memref<10240x128xf32, #tpu.memory_space<vmem_shared>>
            tpu.enqueue_indirect_dma source(%dma_start3A_201 : memref<128x128xf32, #tpu.memory_space<vmem>>) target(%dma_start3A_205 : memref<10240x128xf32, #tpu.memory_space<vmem_shared>>) offsets(%dma_start3A_202 : memref<128xi32, #tpu.memory_space<vmem>>) semaphore(%run_scoped3A : memref<!tpu.dma_semaphore, #tpu.memory_space<semaphore_mem>>) {add = true}
            %dma_wait3A_206 = arith.constant 0 : i32
            %dma_wait3A_207 = arith.constant 0 : i32
            %dma_wait3A_208 = tpu.memref_slice %arg11[%dma_wait3A_206, %dma_wait3A_207] : memref<128x128xf32, #tpu.memory_space<vmem>> -> memref<128x128xf32, #tpu.memory_space<vmem>>
            %dma_wait3A_209 = tpu.memref_slice %arg10[%mul3A_176] : memref<2048xi32, #tpu.memory_space<vmem>> -> memref<128xi32, #tpu.memory_space<vmem>>
            %dma_wait3A_210 = arith.constant 0 : i32
            %dma_wait3A_211 = arith.constant 0 : i32
            %dma_wait3A_212 = tpu.memref_slice %arg13[%dma_wait3A_210, %dma_wait3A_211] : memref<10240x128xf32, #tpu.memory_space<vmem_shared>> -> memref<10240x128xf32, #tpu.memory_space<vmem_shared>>
            tpu.wait_indirect_dma semaphore(%run_scoped3A : memref<!tpu.dma_semaphore, #tpu.memory_space<semaphore_mem>>) src(%dma_wait3A_208 : memref<128x128xf32, #tpu.memory_space<vmem>>) dst(%dma_wait3A_212 : memref<10240x128xf32, #tpu.memory_space<vmem_shared>>)
            tpu.yield
          }) : () -> ()
          %lt3A_177 = arith.constant 7 : i32
          %lt3A_178 = arith.cmpi slt, %scan3A_144, %lt3A_177 : i32
          %convert_element_type3A_179 = arith.extui %lt3A_178 : i1 to i32
          %cond3A_180 = arith.constant 0 : i32
          %cond3A_181 = arith.cmpi ne, %convert_element_type3A_179, %cond3A_180 : i32
          scf.if %cond3A_181 {
            %add3A_199 = arith.constant 2 : i32
            %add3A_200 = arith.addi %mul3A_146, %add3A_199 : i32
            %mul3A_201 = arith.constant 128 : i32
            %mul3A_202 = arith.muli %add3A_200, %mul3A_201 : i32
            %dma_start3A_203 = arith.constant 0 : i32
            %dma_start3A_204 = arith.constant 0 : i32
            %dma_start3A_205 = tpu.memref_slice %arg11[%dma_start3A_203, %dma_start3A_204] : memref<128x128xf32, #tpu.memory_space<vmem>> -> memref<128x128xf32, #tpu.memory_space<vmem>>
            %dma_start3A_206 = tpu.memref_slice %arg8[%mul3A_202] : memref<2048xi32, #tpu.memory_space<vmem>> -> memref<128xi32, #tpu.memory_space<vmem>>
            %dma_start3A_207 = arith.constant 0 : i32
            %dma_start3A_208 = arith.constant 0 : i32
            %dma_start3A_209 = tpu.memref_slice %arg2[%arg0, %dma_start3A_207, %dma_start3A_208] : memref<2x10240x128xf32, #tpu.memory_space<hbm>> -> memref<1x10240x128xf32, #tpu.memory_space<hbm>>
            %dma_start3A_210 = tpu.memref_squeeze %dma_start3A_209 : memref<1x10240x128xf32, #tpu.memory_space<hbm>> -> memref<10240x128xf32, #tpu.memory_space<hbm>>
            %dma_start3A_211 = arith.constant 0 : i32
            %dma_start3A_212 = arith.constant 0 : i32
            %dma_start3A_213 = tpu.memref_slice %dma_start3A_210[%dma_start3A_211, %dma_start3A_212] : memref<10240x128xf32, #tpu.memory_space<hbm>> -> memref<10240x128xf32, #tpu.memory_space<hbm>>
            tpu.enqueue_indirect_dma source(%dma_start3A_213 : memref<10240x128xf32, #tpu.memory_space<hbm>>) target(%dma_start3A_205 : memref<128x128xf32, #tpu.memory_space<vmem>>) offsets(%dma_start3A_206 : memref<128xi32, #tpu.memory_space<vmem>>) semaphore(%arg14 : memref<!tpu.dma_semaphore, #tpu.memory_space<semaphore_mem>>)
          } else {
          }
          %add3A_182 = arith.constant 1 : i32
          %add3A_183 = arith.addi %mul3A_146, %add3A_182 : i32
          %mul3A_184 = arith.constant 128 : i32
          %mul3A_185 = arith.muli %add3A_183, %mul3A_184 : i32
          %dma_wait3A_186 = arith.constant 0 : i32
          %dma_wait3A_187 = arith.constant 0 : i32
          %dma_wait3A_188 = tpu.memref_slice %arg12[%dma_wait3A_186, %dma_wait3A_187] : memref<128x128xf32, #tpu.memory_space<vmem>> -> memref<128x128xf32, #tpu.memory_space<vmem>>
          %dma_wait3A_189 = tpu.memref_slice %arg8[%mul3A_185] : memref<2048xi32, #tpu.memory_space<vmem>> -> memref<128xi32, #tpu.memory_space<vmem>>
          %dma_wait3A_190 = arith.constant 0 : i32
          %dma_wait3A_191 = arith.constant 0 : i32
          %dma_wait3A_192 = tpu.memref_slice %arg2[%arg0, %dma_wait3A_190, %dma_wait3A_191] : memref<2x10240x128xf32, #tpu.memory_space<hbm>> -> memref<1x10240x128xf32, #tpu.memory_space<hbm>>
          %dma_wait3A_193 = tpu.memref_squeeze %dma_wait3A_192 : memref<1x10240x128xf32, #tpu.memory_space<hbm>> -> memref<10240x128xf32, #tpu.memory_space<hbm>>
          %dma_wait3A_194 = arith.constant 0 : i32
          %dma_wait3A_195 = arith.constant 0 : i32
          %dma_wait3A_196 = tpu.memref_slice %dma_wait3A_193[%dma_wait3A_194, %dma_wait3A_195] : memref<10240x128xf32, #tpu.memory_space<hbm>> -> memref<10240x128xf32, #tpu.memory_space<hbm>>
          tpu.wait_indirect_dma semaphore(%arg15 : memref<!tpu.dma_semaphore, #tpu.memory_space<semaphore_mem>>) src(%dma_wait3A_196 : memref<10240x128xf32, #tpu.memory_space<hbm>>) dst(%dma_wait3A_188 : memref<128x128xf32, #tpu.memory_space<vmem>>)
          %mul3A_197 = arith.constant 128 : i32
          %mul3A_198 = arith.muli %add3A_183, %mul3A_197 : i32
          "tpu.region"() ({
            %run_scoped3A = tpu.sem_alloc : memref<!tpu.dma_semaphore, #tpu.memory_space<semaphore_mem>>
            %dma_start3A_199 = arith.constant 0 : i32
            %dma_start3A_200 = arith.constant 0 : i32
            %dma_start3A_201 = tpu.memref_slice %arg12[%dma_start3A_199, %dma_start3A_200] : memref<128x128xf32, #tpu.memory_space<vmem>> -> memref<128x128xf32, #tpu.memory_space<vmem>>
            %dma_start3A_202 = tpu.memref_slice %arg10[%mul3A_198] : memref<2048xi32, #tpu.memory_space<vmem>> -> memref<128xi32, #tpu.memory_space<vmem>>
            %dma_start3A_203 = arith.constant 0 : i32
            %dma_start3A_204 = arith.constant 0 : i32
            %dma_start3A_205 = tpu.memref_slice %arg13[%dma_start3A_203, %dma_start3A_204] : memref<10240x128xf32, #tpu.memory_space<vmem_shared>> -> memref<10240x128xf32, #tpu.memory_space<vmem_shared>>
            tpu.enqueue_indirect_dma source(%dma_start3A_201 : memref<128x128xf32, #tpu.memory_space<vmem>>) target(%dma_start3A_205 : memref<10240x128xf32, #tpu.memory_space<vmem_shared>>) offsets(%dma_start3A_202 : memref<128xi32, #tpu.memory_space<vmem>>) semaphore(%run_scoped3A : memref<!tpu.dma_semaphore, #tpu.memory_space<semaphore_mem>>) {add = true}
            %dma_wait3A_206 = arith.constant 0 : i32
            %dma_wait3A_207 = arith.constant 0 : i32
            %dma_wait3A_208 = tpu.memref_slice %arg12[%dma_wait3A_206, %dma_wait3A_207] : memref<128x128xf32, #tpu.memory_space<vmem>> -> memref<128x128xf32, #tpu.memory_space<vmem>>
            %dma_wait3A_209 = tpu.memref_slice %arg10[%mul3A_198] : memref<2048xi32, #tpu.memory_space<vmem>> -> memref<128xi32, #tpu.memory_space<vmem>>
            %dma_wait3A_210 = arith.constant 0 : i32
            %dma_wait3A_211 = arith.constant 0 : i32
            %dma_wait3A_212 = tpu.memref_slice %arg13[%dma_wait3A_210, %dma_wait3A_211] : memref<10240x128xf32, #tpu.memory_space<vmem_shared>> -> memref<10240x128xf32, #tpu.memory_space<vmem_shared>>
            tpu.wait_indirect_dma semaphore(%run_scoped3A : memref<!tpu.dma_semaphore, #tpu.memory_space<semaphore_mem>>) src(%dma_wait3A_208 : memref<128x128xf32, #tpu.memory_space<vmem>>) dst(%dma_wait3A_212 : memref<10240x128xf32, #tpu.memory_space<vmem_shared>>)
            tpu.yield
          }) : () -> ()
        }
        %scan3A_143 = arith.constant 8 : i32
      } else {
      }
    }
    %scan3A_15 = arith.constant 9 : i32
    %mul3A_16 = arith.constant 20000 : i32
    %mul3A_17 = arith.muli %arg1, %mul3A_16 : i32
    %add3A_18 = arith.constant 18432 : i32
    %add3A_19 = arith.addi %mul3A_17, %add3A_18 : i32
    %eq3A_20 = arith.constant 0 : i32
    %eq3A_21 = arith.cmpi eq, %arg0, %eq3A_20 : i32
    %convert_element_type3A_22 = arith.extui %eq3A_21 : i1 to i32
    %cond3A_23 = arith.constant 0 : i32
    %cond3A_24 = arith.cmpi ne, %convert_element_type3A_22, %cond3A_23 : i32
    scf.if %cond3A_24 {
      %dma_start3A_91 = arith.constant 0 : i32
      %dma_start3A_92 = tpu.memref_slice %arg7[%dma_start3A_91] : memref<2048xi32, #tpu.memory_space<vmem>> -> memref<1568xi32, #tpu.memory_space<vmem>>
      %dma_start3A_93 = tpu.memref_slice %arg4[%add3A_19] : memref<320000xi32, #tpu.memory_space<hbm>> -> memref<1568xi32, #tpu.memory_space<hbm>>
      %dma_start3A_94 = arith.constant 0 : i32
      %dma_start3A_95 = tpu.memref_slice %arg7[%dma_start3A_94] : memref<2048xi32, #tpu.memory_space<vmem>> -> memref<1568xi32, #tpu.memory_space<vmem>>
      %dma_start3A_96 = tpu.memref_slice %arg4[%add3A_19] : memref<320000xi32, #tpu.memory_space<hbm>> -> memref<1568xi32, #tpu.memory_space<hbm>>
      tpu.enqueue_dma source(%dma_start3A_96 : memref<1568xi32, #tpu.memory_space<hbm>>) target(%dma_start3A_95 : memref<1568xi32, #tpu.memory_space<vmem>>) target_semaphore(%arg16 : memref<!tpu.dma_semaphore, #tpu.memory_space<semaphore_mem>>)
      %dma_start3A_97 = arith.constant 0 : i32
      %dma_start3A_98 = tpu.memref_slice %arg9[%dma_start3A_97] : memref<2048xi32, #tpu.memory_space<vmem>> -> memref<1568xi32, #tpu.memory_space<vmem>>
      %dma_start3A_99 = tpu.memref_slice %arg3[%add3A_19] : memref<320000xi32, #tpu.memory_space<hbm>> -> memref<1568xi32, #tpu.memory_space<hbm>>
      %dma_start3A_100 = arith.constant 0 : i32
      %dma_start3A_101 = tpu.memref_slice %arg9[%dma_start3A_100] : memref<2048xi32, #tpu.memory_space<vmem>> -> memref<1568xi32, #tpu.memory_space<vmem>>
      %dma_start3A_102 = tpu.memref_slice %arg3[%add3A_19] : memref<320000xi32, #tpu.memory_space<hbm>> -> memref<1568xi32, #tpu.memory_space<hbm>>
      tpu.enqueue_dma source(%dma_start3A_102 : memref<1568xi32, #tpu.memory_space<hbm>>) target(%dma_start3A_101 : memref<1568xi32, #tpu.memory_space<vmem>>) target_semaphore(%arg16 : memref<!tpu.dma_semaphore, #tpu.memory_space<semaphore_mem>>)
    } else {
    }
    %eq3A_25 = arith.constant 1 : i32
    %eq3A_26 = arith.cmpi eq, %arg0, %eq3A_25 : i32
    %convert_element_type3A_27 = arith.extui %eq3A_26 : i1 to i32
    %cond3A_28 = arith.constant 0 : i32
    %cond3A_29 = arith.cmpi ne, %convert_element_type3A_27, %cond3A_28 : i32
    scf.if %cond3A_29 {
      %dma_start3A_91 = arith.constant 0 : i32
      %dma_start3A_92 = tpu.memref_slice %arg7[%dma_start3A_91] : memref<2048xi32, #tpu.memory_space<vmem>> -> memref<1568xi32, #tpu.memory_space<vmem>>
      %dma_start3A_93 = tpu.memref_slice %arg3[%add3A_19] : memref<320000xi32, #tpu.memory_space<hbm>> -> memref<1568xi32, #tpu.memory_space<hbm>>
      %dma_start3A_94 = arith.constant 0 : i32
      %dma_start3A_95 = tpu.memref_slice %arg7[%dma_start3A_94] : memref<2048xi32, #tpu.memory_space<vmem>> -> memref<1568xi32, #tpu.memory_space<vmem>>
      %dma_start3A_96 = tpu.memref_slice %arg3[%add3A_19] : memref<320000xi32, #tpu.memory_space<hbm>> -> memref<1568xi32, #tpu.memory_space<hbm>>
      tpu.enqueue_dma source(%dma_start3A_96 : memref<1568xi32, #tpu.memory_space<hbm>>) target(%dma_start3A_95 : memref<1568xi32, #tpu.memory_space<vmem>>) target_semaphore(%arg16 : memref<!tpu.dma_semaphore, #tpu.memory_space<semaphore_mem>>)
      %dma_start3A_97 = arith.constant 0 : i32
      %dma_start3A_98 = tpu.memref_slice %arg9[%dma_start3A_97] : memref<2048xi32, #tpu.memory_space<vmem>> -> memref<1568xi32, #tpu.memory_space<vmem>>
      %dma_start3A_99 = tpu.memref_slice %arg4[%add3A_19] : memref<320000xi32, #tpu.memory_space<hbm>> -> memref<1568xi32, #tpu.memory_space<hbm>>
      %dma_start3A_100 = arith.constant 0 : i32
      %dma_start3A_101 = tpu.memref_slice %arg9[%dma_start3A_100] : memref<2048xi32, #tpu.memory_space<vmem>> -> memref<1568xi32, #tpu.memory_space<vmem>>
      %dma_start3A_102 = tpu.memref_slice %arg4[%add3A_19] : memref<320000xi32, #tpu.memory_space<hbm>> -> memref<1568xi32, #tpu.memory_space<hbm>>
      tpu.enqueue_dma source(%dma_start3A_102 : memref<1568xi32, #tpu.memory_space<hbm>>) target(%dma_start3A_101 : memref<1568xi32, #tpu.memory_space<vmem>>) target_semaphore(%arg16 : memref<!tpu.dma_semaphore, #tpu.memory_space<semaphore_mem>>)
    } else {
    }
    %mul3A_30 = arith.constant 20000 : i32
    %mul3A_31 = arith.muli %arg1, %mul3A_30 : i32
    %add3A_32 = arith.constant 18432 : i32
    %add3A_33 = arith.addi %mul3A_31, %add3A_32 : i32
    %dma_wait3A = arith.constant 0 : i32
    %dma_wait3A_34 = tpu.memref_slice %arg7[%dma_wait3A] : memref<2048xi32, #tpu.memory_space<vmem>> -> memref<1568xi32, #tpu.memory_space<vmem>>
    %dma_wait3A_35 = tpu.memref_slice %arg3[%add3A_33] : memref<320000xi32, #tpu.memory_space<hbm>> -> memref<1568xi32, #tpu.memory_space<hbm>>
    %dma_wait3A_36 = arith.constant 0 : i32
    %dma_wait3A_37 = tpu.memref_slice %arg7[%dma_wait3A_36] : memref<2048xi32, #tpu.memory_space<vmem>> -> memref<1568xi32, #tpu.memory_space<vmem>>
    %dma_wait3A_38 = tpu.memref_slice %arg3[%add3A_33] : memref<320000xi32, #tpu.memory_space<hbm>> -> memref<1568xi32, #tpu.memory_space<hbm>>
    tpu.wait_dma2 semaphore(%arg16 : memref<!tpu.dma_semaphore, #tpu.memory_space<semaphore_mem>>) src(%dma_wait3A_38 : memref<1568xi32, #tpu.memory_space<hbm>>) dst(%dma_wait3A_37 : memref<1568xi32, #tpu.memory_space<vmem>>)
    %dma_wait3A_39 = arith.constant 0 : i32
    %dma_wait3A_40 = tpu.memref_slice %arg9[%dma_wait3A_39] : memref<2048xi32, #tpu.memory_space<vmem>> -> memref<1568xi32, #tpu.memory_space<vmem>>
    %dma_wait3A_41 = tpu.memref_slice %arg3[%add3A_33] : memref<320000xi32, #tpu.memory_space<hbm>> -> memref<1568xi32, #tpu.memory_space<hbm>>
    %dma_wait3A_42 = arith.constant 0 : i32
    %dma_wait3A_43 = tpu.memref_slice %arg9[%dma_wait3A_42] : memref<2048xi32, #tpu.memory_space<vmem>> -> memref<1568xi32, #tpu.memory_space<vmem>>
    %dma_wait3A_44 = tpu.memref_slice %arg3[%add3A_33] : memref<320000xi32, #tpu.memory_space<hbm>> -> memref<1568xi32, #tpu.memory_space<hbm>>
    tpu.wait_dma2 semaphore(%arg16 : memref<!tpu.dma_semaphore, #tpu.memory_space<semaphore_mem>>) src(%dma_wait3A_44 : memref<1568xi32, #tpu.memory_space<hbm>>) dst(%dma_wait3A_43 : memref<1568xi32, #tpu.memory_space<vmem>>)
    %dma_start3A = arith.constant 0 : i32
    %dma_start3A_45 = arith.constant 0 : i32
    %dma_start3A_46 = tpu.memref_slice %arg11[%dma_start3A, %dma_start3A_45] : memref<128x128xf32, #tpu.memory_space<vmem>> -> memref<128x128xf32, #tpu.memory_space<vmem>>
    %dma_start3A_47 = arith.constant 0 : i32
    %dma_start3A_48 = tpu.memref_slice %arg7[%dma_start3A_47] : memref<2048xi32, #tpu.memory_space<vmem>> -> memref<128xi32, #tpu.memory_space<vmem>>
    %dma_start3A_49 = arith.constant 0 : i32
    %dma_start3A_50 = arith.constant 0 : i32
    %dma_start3A_51 = tpu.memref_slice %arg2[%arg0, %dma_start3A_49, %dma_start3A_50] : memref<2x10240x128xf32, #tpu.memory_space<hbm>> -> memref<1x10240x128xf32, #tpu.memory_space<hbm>>
    %dma_start3A_52 = tpu.memref_squeeze %dma_start3A_51 : memref<1x10240x128xf32, #tpu.memory_space<hbm>> -> memref<10240x128xf32, #tpu.memory_space<hbm>>
    %dma_start3A_53 = arith.constant 0 : i32
    %dma_start3A_54 = arith.constant 0 : i32
    %dma_start3A_55 = tpu.memref_slice %dma_start3A_52[%dma_start3A_53, %dma_start3A_54] : memref<10240x128xf32, #tpu.memory_space<hbm>> -> memref<10240x128xf32, #tpu.memory_space<hbm>>
    tpu.enqueue_indirect_dma source(%dma_start3A_55 : memref<10240x128xf32, #tpu.memory_space<hbm>>) target(%dma_start3A_46 : memref<128x128xf32, #tpu.memory_space<vmem>>) offsets(%dma_start3A_48 : memref<128xi32, #tpu.memory_space<vmem>>) semaphore(%arg14 : memref<!tpu.dma_semaphore, #tpu.memory_space<semaphore_mem>>)
    %scan3A_56 = arith.constant 0 : i32
    %scan3A_57 = arith.constant 0 : i32
    %scan3A_58 = arith.constant 6 : i32
    %scan3A_59 = arith.addi %scan3A_57, %scan3A_58 : i32
    %scan3A_60 = arith.constant 1 : i32
    scf.for %scan3A_91 = %scan3A_57 to %scan3A_59 step %scan3A_60  : i32 {
      %mul3A_92 = arith.constant 2 : i32
      %mul3A_93 = arith.muli %mul3A_92, %scan3A_91 : i32
      %add3A_94 = arith.constant 1 : i32
      %add3A_95 = arith.addi %mul3A_93, %add3A_94 : i32
      %mul3A_96 = arith.constant 128 : i32
      %mul3A_97 = arith.muli %add3A_95, %mul3A_96 : i32
      %dma_start3A_98 = arith.constant 0 : i32
      %dma_start3A_99 = arith.constant 0 : i32
      %dma_start3A_100 = tpu.memref_slice %arg12[%dma_start3A_98, %dma_start3A_99] : memref<128x128xf32, #tpu.memory_space<vmem>> -> memref<128x128xf32, #tpu.memory_space<vmem>>
      %dma_start3A_101 = tpu.memref_slice %arg7[%mul3A_97] : memref<2048xi32, #tpu.memory_space<vmem>> -> memref<128xi32, #tpu.memory_space<vmem>>
      %dma_start3A_102 = arith.constant 0 : i32
      %dma_start3A_103 = arith.constant 0 : i32
      %dma_start3A_104 = tpu.memref_slice %arg2[%arg0, %dma_start3A_102, %dma_start3A_103] : memref<2x10240x128xf32, #tpu.memory_space<hbm>> -> memref<1x10240x128xf32, #tpu.memory_space<hbm>>
      %dma_start3A_105 = tpu.memref_squeeze %dma_start3A_104 : memref<1x10240x128xf32, #tpu.memory_space<hbm>> -> memref<10240x128xf32, #tpu.memory_space<hbm>>
      %dma_start3A_106 = arith.constant 0 : i32
      %dma_start3A_107 = arith.constant 0 : i32
      %dma_start3A_108 = tpu.memref_slice %dma_start3A_105[%dma_start3A_106, %dma_start3A_107] : memref<10240x128xf32, #tpu.memory_space<hbm>> -> memref<10240x128xf32, #tpu.memory_space<hbm>>
      tpu.enqueue_indirect_dma source(%dma_start3A_108 : memref<10240x128xf32, #tpu.memory_space<hbm>>) target(%dma_start3A_100 : memref<128x128xf32, #tpu.memory_space<vmem>>) offsets(%dma_start3A_101 : memref<128xi32, #tpu.memory_space<vmem>>) semaphore(%arg15 : memref<!tpu.dma_semaphore, #tpu.memory_space<semaphore_mem>>)
      %mul3A_109 = arith.constant 128 : i32
      %mul3A_110 = arith.muli %mul3A_93, %mul3A_109 : i32
      %dma_wait3A_111 = arith.constant 0 : i32
      %dma_wait3A_112 = arith.constant 0 : i32
      %dma_wait3A_113 = tpu.memref_slice %arg11[%dma_wait3A_111, %dma_wait3A_112] : memref<128x128xf32, #tpu.memory_space<vmem>> -> memref<128x128xf32, #tpu.memory_space<vmem>>
      %dma_wait3A_114 = tpu.memref_slice %arg7[%mul3A_110] : memref<2048xi32, #tpu.memory_space<vmem>> -> memref<128xi32, #tpu.memory_space<vmem>>
      %dma_wait3A_115 = arith.constant 0 : i32
      %dma_wait3A_116 = arith.constant 0 : i32
      %dma_wait3A_117 = tpu.memref_slice %arg2[%arg0, %dma_wait3A_115, %dma_wait3A_116] : memref<2x10240x128xf32, #tpu.memory_space<hbm>> -> memref<1x10240x128xf32, #tpu.memory_space<hbm>>
      %dma_wait3A_118 = tpu.memref_squeeze %dma_wait3A_117 : memref<1x10240x128xf32, #tpu.memory_space<hbm>> -> memref<10240x128xf32, #tpu.memory_space<hbm>>
      %dma_wait3A_119 = arith.constant 0 : i32
      %dma_wait3A_120 = arith.constant 0 : i32
      %dma_wait3A_121 = tpu.memref_slice %dma_wait3A_118[%dma_wait3A_119, %dma_wait3A_120] : memref<10240x128xf32, #tpu.memory_space<hbm>> -> memref<10240x128xf32, #tpu.memory_space<hbm>>
      tpu.wait_indirect_dma semaphore(%arg14 : memref<!tpu.dma_semaphore, #tpu.memory_space<semaphore_mem>>) src(%dma_wait3A_121 : memref<10240x128xf32, #tpu.memory_space<hbm>>) dst(%dma_wait3A_113 : memref<128x128xf32, #tpu.memory_space<vmem>>)
      %mul3A_122 = arith.constant 128 : i32
      %mul3A_123 = arith.muli %mul3A_93, %mul3A_122 : i32
      "tpu.region"() ({
        %run_scoped3A = tpu.sem_alloc : memref<!tpu.dma_semaphore, #tpu.memory_space<semaphore_mem>>
        %dma_start3A_145 = arith.constant 0 : i32
        %dma_start3A_146 = arith.constant 0 : i32
        %dma_start3A_147 = tpu.memref_slice %arg11[%dma_start3A_145, %dma_start3A_146] : memref<128x128xf32, #tpu.memory_space<vmem>> -> memref<128x128xf32, #tpu.memory_space<vmem>>
        %dma_start3A_148 = tpu.memref_slice %arg9[%mul3A_123] : memref<2048xi32, #tpu.memory_space<vmem>> -> memref<128xi32, #tpu.memory_space<vmem>>
        %dma_start3A_149 = arith.constant 0 : i32
        %dma_start3A_150 = arith.constant 0 : i32
        %dma_start3A_151 = tpu.memref_slice %arg13[%dma_start3A_149, %dma_start3A_150] : memref<10240x128xf32, #tpu.memory_space<vmem_shared>> -> memref<10240x128xf32, #tpu.memory_space<vmem_shared>>
        tpu.enqueue_indirect_dma source(%dma_start3A_147 : memref<128x128xf32, #tpu.memory_space<vmem>>) target(%dma_start3A_151 : memref<10240x128xf32, #tpu.memory_space<vmem_shared>>) offsets(%dma_start3A_148 : memref<128xi32, #tpu.memory_space<vmem>>) semaphore(%run_scoped3A : memref<!tpu.dma_semaphore, #tpu.memory_space<semaphore_mem>>) {add = true}
        %dma_wait3A_152 = arith.constant 0 : i32
        %dma_wait3A_153 = arith.constant 0 : i32
        %dma_wait3A_154 = tpu.memref_slice %arg11[%dma_wait3A_152, %dma_wait3A_153] : memref<128x128xf32, #tpu.memory_space<vmem>> -> memref<128x128xf32, #tpu.memory_space<vmem>>
        %dma_wait3A_155 = tpu.memref_slice %arg9[%mul3A_123] : memref<2048xi32, #tpu.memory_space<vmem>> -> memref<128xi32, #tpu.memory_space<vmem>>
        %dma_wait3A_156 = arith.constant 0 : i32
        %dma_wait3A_157 = arith.constant 0 : i32
        %dma_wait3A_158 = tpu.memref_slice %arg13[%dma_wait3A_156, %dma_wait3A_157] : memref<10240x128xf32, #tpu.memory_space<vmem_shared>> -> memref<10240x128xf32, #tpu.memory_space<vmem_shared>>
        tpu.wait_indirect_dma semaphore(%run_scoped3A : memref<!tpu.dma_semaphore, #tpu.memory_space<semaphore_mem>>) src(%dma_wait3A_154 : memref<128x128xf32, #tpu.memory_space<vmem>>) dst(%dma_wait3A_158 : memref<10240x128xf32, #tpu.memory_space<vmem_shared>>)
        tpu.yield
      }) : () -> ()
      %lt3A = arith.constant 5 : i32
      %lt3A_124 = arith.cmpi slt, %scan3A_91, %lt3A : i32
      %convert_element_type3A_125 = arith.extui %lt3A_124 : i1 to i32
      %cond3A_126 = arith.constant 0 : i32
      %cond3A_127 = arith.cmpi ne, %convert_element_type3A_125, %cond3A_126 : i32
      scf.if %cond3A_127 {
        %add3A_145 = arith.constant 2 : i32
        %add3A_146 = arith.addi %mul3A_93, %add3A_145 : i32
        %mul3A_147 = arith.constant 128 : i32
        %mul3A_148 = arith.muli %add3A_146, %mul3A_147 : i32
        %dma_start3A_149 = arith.constant 0 : i32
        %dma_start3A_150 = arith.constant 0 : i32
        %dma_start3A_151 = tpu.memref_slice %arg11[%dma_start3A_149, %dma_start3A_150] : memref<128x128xf32, #tpu.memory_space<vmem>> -> memref<128x128xf32, #tpu.memory_space<vmem>>
        %dma_start3A_152 = tpu.memref_slice %arg7[%mul3A_148] : memref<2048xi32, #tpu.memory_space<vmem>> -> memref<128xi32, #tpu.memory_space<vmem>>
        %dma_start3A_153 = arith.constant 0 : i32
        %dma_start3A_154 = arith.constant 0 : i32
        %dma_start3A_155 = tpu.memref_slice %arg2[%arg0, %dma_start3A_153, %dma_start3A_154] : memref<2x10240x128xf32, #tpu.memory_space<hbm>> -> memref<1x10240x128xf32, #tpu.memory_space<hbm>>
        %dma_start3A_156 = tpu.memref_squeeze %dma_start3A_155 : memref<1x10240x128xf32, #tpu.memory_space<hbm>> -> memref<10240x128xf32, #tpu.memory_space<hbm>>
        %dma_start3A_157 = arith.constant 0 : i32
        %dma_start3A_158 = arith.constant 0 : i32
        %dma_start3A_159 = tpu.memref_slice %dma_start3A_156[%dma_start3A_157, %dma_start3A_158] : memref<10240x128xf32, #tpu.memory_space<hbm>> -> memref<10240x128xf32, #tpu.memory_space<hbm>>
        tpu.enqueue_indirect_dma source(%dma_start3A_159 : memref<10240x128xf32, #tpu.memory_space<hbm>>) target(%dma_start3A_151 : memref<128x128xf32, #tpu.memory_space<vmem>>) offsets(%dma_start3A_152 : memref<128xi32, #tpu.memory_space<vmem>>) semaphore(%arg14 : memref<!tpu.dma_semaphore, #tpu.memory_space<semaphore_mem>>)
      } else {
      }
      %add3A_128 = arith.constant 1 : i32
      %add3A_129 = arith.addi %mul3A_93, %add3A_128 : i32
      %mul3A_130 = arith.constant 128 : i32
      %mul3A_131 = arith.muli %add3A_129, %mul3A_130 : i32
      %dma_wait3A_132 = arith.constant 0 : i32
      %dma_wait3A_133 = arith.constant 0 : i32
      %dma_wait3A_134 = tpu.memref_slice %arg12[%dma_wait3A_132, %dma_wait3A_133] : memref<128x128xf32, #tpu.memory_space<vmem>> -> memref<128x128xf32, #tpu.memory_space<vmem>>
      %dma_wait3A_135 = tpu.memref_slice %arg7[%mul3A_131] : memref<2048xi32, #tpu.memory_space<vmem>> -> memref<128xi32, #tpu.memory_space<vmem>>
      %dma_wait3A_136 = arith.constant 0 : i32
      %dma_wait3A_137 = arith.constant 0 : i32
      %dma_wait3A_138 = tpu.memref_slice %arg2[%arg0, %dma_wait3A_136, %dma_wait3A_137] : memref<2x10240x128xf32, #tpu.memory_space<hbm>> -> memref<1x10240x128xf32, #tpu.memory_space<hbm>>
      %dma_wait3A_139 = tpu.memref_squeeze %dma_wait3A_138 : memref<1x10240x128xf32, #tpu.memory_space<hbm>> -> memref<10240x128xf32, #tpu.memory_space<hbm>>
      %dma_wait3A_140 = arith.constant 0 : i32
      %dma_wait3A_141 = arith.constant 0 : i32
      %dma_wait3A_142 = tpu.memref_slice %dma_wait3A_139[%dma_wait3A_140, %dma_wait3A_141] : memref<10240x128xf32, #tpu.memory_space<hbm>> -> memref<10240x128xf32, #tpu.memory_space<hbm>>
      tpu.wait_indirect_dma semaphore(%arg15 : memref<!tpu.dma_semaphore, #tpu.memory_space<semaphore_mem>>) src(%dma_wait3A_142 : memref<10240x128xf32, #tpu.memory_space<hbm>>) dst(%dma_wait3A_134 : memref<128x128xf32, #tpu.memory_space<vmem>>)
      %mul3A_143 = arith.constant 128 : i32
      %mul3A_144 = arith.muli %add3A_129, %mul3A_143 : i32
      "tpu.region"() ({
        %run_scoped3A = tpu.sem_alloc : memref<!tpu.dma_semaphore, #tpu.memory_space<semaphore_mem>>
        %dma_start3A_145 = arith.constant 0 : i32
        %dma_start3A_146 = arith.constant 0 : i32
        %dma_start3A_147 = tpu.memref_slice %arg12[%dma_start3A_145, %dma_start3A_146] : memref<128x128xf32, #tpu.memory_space<vmem>> -> memref<128x128xf32, #tpu.memory_space<vmem>>
        %dma_start3A_148 = tpu.memref_slice %arg9[%mul3A_144] : memref<2048xi32, #tpu.memory_space<vmem>> -> memref<128xi32, #tpu.memory_space<vmem>>
        %dma_start3A_149 = arith.constant 0 : i32
        %dma_start3A_150 = arith.constant 0 : i32
        %dma_start3A_151 = tpu.memref_slice %arg13[%dma_start3A_149, %dma_start3A_150] : memref<10240x128xf32, #tpu.memory_space<vmem_shared>> -> memref<10240x128xf32, #tpu.memory_space<vmem_shared>>
        tpu.enqueue_indirect_dma source(%dma_start3A_147 : memref<128x128xf32, #tpu.memory_space<vmem>>) target(%dma_start3A_151 : memref<10240x128xf32, #tpu.memory_space<vmem_shared>>) offsets(%dma_start3A_148 : memref<128xi32, #tpu.memory_space<vmem>>) semaphore(%run_scoped3A : memref<!tpu.dma_semaphore, #tpu.memory_space<semaphore_mem>>) {add = true}
        %dma_wait3A_152 = arith.constant 0 : i32
        %dma_wait3A_153 = arith.constant 0 : i32
        %dma_wait3A_154 = tpu.memref_slice %arg12[%dma_wait3A_152, %dma_wait3A_153] : memref<128x128xf32, #tpu.memory_space<vmem>> -> memref<128x128xf32, #tpu.memory_space<vmem>>
        %dma_wait3A_155 = tpu.memref_slice %arg9[%mul3A_144] : memref<2048xi32, #tpu.memory_space<vmem>> -> memref<128xi32, #tpu.memory_space<vmem>>
        %dma_wait3A_156 = arith.constant 0 : i32
        %dma_wait3A_157 = arith.constant 0 : i32
        %dma_wait3A_158 = tpu.memref_slice %arg13[%dma_wait3A_156, %dma_wait3A_157] : memref<10240x128xf32, #tpu.memory_space<vmem_shared>> -> memref<10240x128xf32, #tpu.memory_space<vmem_shared>>
        tpu.wait_indirect_dma semaphore(%run_scoped3A : memref<!tpu.dma_semaphore, #tpu.memory_space<semaphore_mem>>) src(%dma_wait3A_154 : memref<128x128xf32, #tpu.memory_space<vmem>>) dst(%dma_wait3A_158 : memref<10240x128xf32, #tpu.memory_space<vmem_shared>>)
        tpu.yield
      }) : () -> ()
    }
    %scan3A_61 = arith.constant 6 : i32
    %dma_start3A_62 = arith.constant 0 : i32
    %dma_start3A_63 = arith.constant 0 : i32
    %dma_start3A_64 = tpu.memref_slice %arg11[%dma_start3A_62, %dma_start3A_63] : memref<128x128xf32, #tpu.memory_space<vmem>> -> memref<32x128xf32, #tpu.memory_space<vmem>>
    %dma_start3A_65 = arith.constant 1536 : i32
    %dma_start3A_66 = tpu.memref_slice %arg7[%dma_start3A_65] : memref<2048xi32, #tpu.memory_space<vmem>> -> memref<32xi32, #tpu.memory_space<vmem>>
    %dma_start3A_67 = arith.constant 0 : i32
    %dma_start3A_68 = arith.constant 0 : i32
    %dma_start3A_69 = tpu.memref_slice %arg2[%arg0, %dma_start3A_67, %dma_start3A_68] : memref<2x10240x128xf32, #tpu.memory_space<hbm>> -> memref<1x10240x128xf32, #tpu.memory_space<hbm>>
    %dma_start3A_70 = tpu.memref_squeeze %dma_start3A_69 : memref<1x10240x128xf32, #tpu.memory_space<hbm>> -> memref<10240x128xf32, #tpu.memory_space<hbm>>
    %dma_start3A_71 = arith.constant 0 : i32
    %dma_start3A_72 = arith.constant 0 : i32
    %dma_start3A_73 = tpu.memref_slice %dma_start3A_70[%dma_start3A_71, %dma_start3A_72] : memref<10240x128xf32, #tpu.memory_space<hbm>> -> memref<10240x128xf32, #tpu.memory_space<hbm>>
    tpu.enqueue_indirect_dma source(%dma_start3A_73 : memref<10240x128xf32, #tpu.memory_space<hbm>>) target(%dma_start3A_64 : memref<32x128xf32, #tpu.memory_space<vmem>>) offsets(%dma_start3A_66 : memref<32xi32, #tpu.memory_space<vmem>>) semaphore(%arg14 : memref<!tpu.dma_semaphore, #tpu.memory_space<semaphore_mem>>)
    %dma_wait3A_74 = arith.constant 0 : i32
    %dma_wait3A_75 = arith.constant 0 : i32
    %dma_wait3A_76 = tpu.memref_slice %arg11[%dma_wait3A_74, %dma_wait3A_75] : memref<128x128xf32, #tpu.memory_space<vmem>> -> memref<32x128xf32, #tpu.memory_space<vmem>>
    %dma_wait3A_77 = arith.constant 1536 : i32
    %dma_wait3A_78 = tpu.memref_slice %arg7[%dma_wait3A_77] : memref<2048xi32, #tpu.memory_space<vmem>> -> memref<32xi32, #tpu.memory_space<vmem>>
    %dma_wait3A_79 = arith.constant 0 : i32
    %dma_wait3A_80 = arith.constant 0 : i32
    %dma_wait3A_81 = tpu.memref_slice %arg2[%arg0, %dma_wait3A_79, %dma_wait3A_80] : memref<2x10240x128xf32, #tpu.memory_space<hbm>> -> memref<1x10240x128xf32, #tpu.memory_space<hbm>>
    %dma_wait3A_82 = tpu.memref_squeeze %dma_wait3A_81 : memref<1x10240x128xf32, #tpu.memory_space<hbm>> -> memref<10240x128xf32, #tpu.memory_space<hbm>>
    %dma_wait3A_83 = arith.constant 0 : i32
    %dma_wait3A_84 = arith.constant 0 : i32
    %dma_wait3A_85 = tpu.memref_slice %dma_wait3A_82[%dma_wait3A_83, %dma_wait3A_84] : memref<10240x128xf32, #tpu.memory_space<hbm>> -> memref<10240x128xf32, #tpu.memory_space<hbm>>
    tpu.wait_indirect_dma semaphore(%arg14 : memref<!tpu.dma_semaphore, #tpu.memory_space<semaphore_mem>>) src(%dma_wait3A_85 : memref<10240x128xf32, #tpu.memory_space<hbm>>) dst(%dma_wait3A_76 : memref<32x128xf32, #tpu.memory_space<vmem>>)
    "tpu.region"() ({
      %run_scoped3A = tpu.sem_alloc : memref<!tpu.dma_semaphore, #tpu.memory_space<semaphore_mem>>
      %dma_start3A_91 = arith.constant 0 : i32
      %dma_start3A_92 = arith.constant 0 : i32
      %dma_start3A_93 = tpu.memref_slice %arg11[%dma_start3A_91, %dma_start3A_92] : memref<128x128xf32, #tpu.memory_space<vmem>> -> memref<32x128xf32, #tpu.memory_space<vmem>>
      %dma_start3A_94 = arith.constant 1536 : i32
      %dma_start3A_95 = tpu.memref_slice %arg9[%dma_start3A_94] : memref<2048xi32, #tpu.memory_space<vmem>> -> memref<32xi32, #tpu.memory_space<vmem>>
      %dma_start3A_96 = arith.constant 0 : i32
      %dma_start3A_97 = arith.constant 0 : i32
      %dma_start3A_98 = tpu.memref_slice %arg13[%dma_start3A_96, %dma_start3A_97] : memref<10240x128xf32, #tpu.memory_space<vmem_shared>> -> memref<10240x128xf32, #tpu.memory_space<vmem_shared>>
      tpu.enqueue_indirect_dma source(%dma_start3A_93 : memref<32x128xf32, #tpu.memory_space<vmem>>) target(%dma_start3A_98 : memref<10240x128xf32, #tpu.memory_space<vmem_shared>>) offsets(%dma_start3A_95 : memref<32xi32, #tpu.memory_space<vmem>>) semaphore(%run_scoped3A : memref<!tpu.dma_semaphore, #tpu.memory_space<semaphore_mem>>) {add = true}
      %dma_wait3A_99 = arith.constant 0 : i32
      %dma_wait3A_100 = arith.constant 0 : i32
      %dma_wait3A_101 = tpu.memref_slice %arg11[%dma_wait3A_99, %dma_wait3A_100] : memref<128x128xf32, #tpu.memory_space<vmem>> -> memref<32x128xf32, #tpu.memory_space<vmem>>
      %dma_wait3A_102 = arith.constant 1536 : i32
      %dma_wait3A_103 = tpu.memref_slice %arg9[%dma_wait3A_102] : memref<2048xi32, #tpu.memory_space<vmem>> -> memref<32xi32, #tpu.memory_space<vmem>>
      %dma_wait3A_104 = arith.constant 0 : i32
      %dma_wait3A_105 = arith.constant 0 : i32
      %dma_wait3A_106 = tpu.memref_slice %arg13[%dma_wait3A_104, %dma_wait3A_105] : memref<10240x128xf32, #tpu.memory_space<vmem_shared>> -> memref<10240x128xf32, #tpu.memory_space<vmem_shared>>
      tpu.wait_indirect_dma semaphore(%run_scoped3A : memref<!tpu.dma_semaphore, #tpu.memory_space<semaphore_mem>>) src(%dma_wait3A_101 : memref<32x128xf32, #tpu.memory_space<vmem>>) dst(%dma_wait3A_106 : memref<10240x128xf32, #tpu.memory_space<vmem_shared>>)
      tpu.yield
    }) : () -> ()
    %barrier3A_86 = arith.constant 0 : index
    tpu.barrier barrier_id(%barrier3A_86)
    %mul3A_87 = arith.constant 640 : i32
    %mul3A_88 = arith.muli %arg1, %mul3A_87 : i32
    %mul3A_89 = arith.constant 640 : i32
    %mul3A_90 = arith.muli %arg1, %mul3A_89 : i32
    "tpu.region"() ({
      %run_scoped3A = tpu.sem_alloc : memref<!tpu.dma_semaphore, #tpu.memory_space<semaphore_mem>>
      %dma_start3A_91 = arith.constant 0 : i32
      %dma_start3A_92 = tpu.memref_slice %arg6[%arg0, %mul3A_90, %dma_start3A_91] : memref<2x10240x128xf32, #tpu.memory_space<hbm>> -> memref<1x640x128xf32, #tpu.memory_space<hbm>>
      %dma_start3A_93 = tpu.memref_squeeze %dma_start3A_92 : memref<1x640x128xf32, #tpu.memory_space<hbm>> -> memref<640x128xf32, #tpu.memory_space<hbm>>
      %dma_start3A_94 = arith.constant 0 : i32
      %dma_start3A_95 = tpu.memref_slice %arg13[%mul3A_88, %dma_start3A_94] : memref<10240x128xf32, #tpu.memory_space<vmem_shared>> -> memref<640x128xf32, #tpu.memory_space<vmem_shared>>
      tpu.enqueue_dma source(%dma_start3A_95 : memref<640x128xf32, #tpu.memory_space<vmem_shared>>) target(%dma_start3A_93 : memref<640x128xf32, #tpu.memory_space<hbm>>) target_semaphore(%run_scoped3A : memref<!tpu.dma_semaphore, #tpu.memory_space<semaphore_mem>>)
      %dma_wait3A_96 = arith.constant 0 : i32
      %dma_wait3A_97 = tpu.memref_slice %arg6[%arg0, %mul3A_90, %dma_wait3A_96] : memref<2x10240x128xf32, #tpu.memory_space<hbm>> -> memref<1x640x128xf32, #tpu.memory_space<hbm>>
      %dma_wait3A_98 = tpu.memref_squeeze %dma_wait3A_97 : memref<1x640x128xf32, #tpu.memory_space<hbm>> -> memref<640x128xf32, #tpu.memory_space<hbm>>
      %dma_wait3A_99 = arith.constant 0 : i32
      %dma_wait3A_100 = tpu.memref_slice %arg13[%mul3A_88, %dma_wait3A_99] : memref<10240x128xf32, #tpu.memory_space<vmem_shared>> -> memref<640x128xf32, #tpu.memory_space<vmem_shared>>
      tpu.wait_dma2 semaphore(%run_scoped3A : memref<!tpu.dma_semaphore, #tpu.memory_space<semaphore_mem>>) src(%dma_wait3A_100 : memref<640x128xf32, #tpu.memory_space<vmem_shared>>) dst(%dma_wait3A_98 : memref<640x128xf32, #tpu.memory_space<hbm>>)
      tpu.yield
    }) : () -> ()
    return
  }
}

#map = affine_map<(d0, d1) -> (0)>
#map1 = affine_map<(d0, d1) -> (0, 0)>
module attributes {stable_mosaic.version = 14 : i64} {
  func.func @_deg_body(%arg0: i32, %arg1: i32, %arg2: memref<320000xi32, #tpu.memory_space<hbm>>, %arg3: memref<320000xi32, #tpu.memory_space<hbm>>, %arg4: memref<640xf32, #tpu.memory_space<hbm>>, %arg5: memref<2x10240xf32, #tpu.memory_space<hbm>>, %arg6: memref<20000xi32, #tpu.memory_space<vmem>>, %arg7: memref<128xf32, #tpu.memory_space<vmem>>, %arg8: memref<10240xf32, #tpu.memory_space<vmem_shared>>, %arg9: memref<!tpu.dma_semaphore, #tpu.memory_space<semaphore_mem>>) attributes {dimension_semantics = [#tpu.dimension_semantics<core_parallel>, #tpu.dimension_semantics<subcore_parallel>], iteration_bounds = array<i64: 2, 16>, scalar_prefetch = 0 : i64, scratch_operands = 4 : i64, tpu.core_type = #tpu.core_type<sc_vector_subcore>, window_params = [{transform_indices = #map}, {transform_indices = #map}, {transform_indices = #map}, {transform_indices = #map1}]} {
    %mul3A = arith.constant 640 : i32
    %mul3A_0 = arith.muli %arg1, %mul3A : i32
    "tpu.region"() ({
      %run_scoped3A = tpu.sem_alloc : memref<!tpu.dma_semaphore, #tpu.memory_space<semaphore_mem>>
      %dma_start3A_80 = tpu.memref_slice %arg8[%mul3A_0] : memref<10240xf32, #tpu.memory_space<vmem_shared>> -> memref<640xf32, #tpu.memory_space<vmem_shared>>
      tpu.enqueue_dma source(%arg4 : memref<640xf32, #tpu.memory_space<hbm>>) target(%dma_start3A_80 : memref<640xf32, #tpu.memory_space<vmem_shared>>) target_semaphore(%run_scoped3A : memref<!tpu.dma_semaphore, #tpu.memory_space<semaphore_mem>>)
      %dma_wait3A_81 = tpu.memref_slice %arg8[%mul3A_0] : memref<10240xf32, #tpu.memory_space<vmem_shared>> -> memref<640xf32, #tpu.memory_space<vmem_shared>>
      tpu.wait_dma2 semaphore(%run_scoped3A : memref<!tpu.dma_semaphore, #tpu.memory_space<semaphore_mem>>) src(%arg4 : memref<640xf32, #tpu.memory_space<hbm>>) dst(%dma_wait3A_81 : memref<640xf32, #tpu.memory_space<vmem_shared>>)
      tpu.yield
    }) : () -> ()
    %broadcast_in_dim3A = arith.constant 1.000000e+00 : f32
    %broadcast_in_dim3A_1 = vector.broadcast %broadcast_in_dim3A : f32 to vector<16xf32>
    %swap3A = arith.constant 0 : index
    %swap3A_2 = tpu.vector_load %arg7[%swap3A] {strides = array<i32>} : memref<128xf32, #tpu.memory_space<vmem>>, vector<16xf32>,
    %swap3A_3 = vector.shape_cast %swap3A_2 : vector<16xf32> to vector<16xf32>
    %swap3A_4 = vector.shape_cast %broadcast_in_dim3A_1 : vector<16xf32> to vector<16xf32>
    tpu.vector_store %arg7[%swap3A], %swap3A_4 {strides = array<i32>} : memref<128xf32, #tpu.memory_space<vmem>>, vector<16xf32>,
    %broadcast_in_dim3A_5 = arith.constant 1.000000e+00 : f32
    %broadcast_in_dim3A_6 = vector.broadcast %broadcast_in_dim3A_5 : f32 to vector<16xf32>
    %swap3A_7 = arith.constant 16 : index
    %swap3A_8 = tpu.vector_load %arg7[%swap3A_7] {strides = array<i32>} : memref<128xf32, #tpu.memory_space<vmem>>, vector<16xf32>,
    %swap3A_9 = vector.shape_cast %swap3A_8 : vector<16xf32> to vector<16xf32>
    %swap3A_10 = vector.shape_cast %broadcast_in_dim3A_6 : vector<16xf32> to vector<16xf32>
    tpu.vector_store %arg7[%swap3A_7], %swap3A_10 {strides = array<i32>} : memref<128xf32, #tpu.memory_space<vmem>>, vector<16xf32>,
    %broadcast_in_dim3A_11 = arith.constant 1.000000e+00 : f32
    %broadcast_in_dim3A_12 = vector.broadcast %broadcast_in_dim3A_11 : f32 to vector<16xf32>
    %swap3A_13 = arith.constant 32 : index
    %swap3A_14 = tpu.vector_load %arg7[%swap3A_13] {strides = array<i32>} : memref<128xf32, #tpu.memory_space<vmem>>, vector<16xf32>,
    %swap3A_15 = vector.shape_cast %swap3A_14 : vector<16xf32> to vector<16xf32>
    %swap3A_16 = vector.shape_cast %broadcast_in_dim3A_12 : vector<16xf32> to vector<16xf32>
    tpu.vector_store %arg7[%swap3A_13], %swap3A_16 {strides = array<i32>} : memref<128xf32, #tpu.memory_space<vmem>>, vector<16xf32>,
    %broadcast_in_dim3A_17 = arith.constant 1.000000e+00 : f32
    %broadcast_in_dim3A_18 = vector.broadcast %broadcast_in_dim3A_17 : f32 to vector<16xf32>
    %swap3A_19 = arith.constant 48 : index
    %swap3A_20 = tpu.vector_load %arg7[%swap3A_19] {strides = array<i32>} : memref<128xf32, #tpu.memory_space<vmem>>, vector<16xf32>,
    %swap3A_21 = vector.shape_cast %swap3A_20 : vector<16xf32> to vector<16xf32>
    %swap3A_22 = vector.shape_cast %broadcast_in_dim3A_18 : vector<16xf32> to vector<16xf32>
    tpu.vector_store %arg7[%swap3A_19], %swap3A_22 {strides = array<i32>} : memref<128xf32, #tpu.memory_space<vmem>>, vector<16xf32>,
    %broadcast_in_dim3A_23 = arith.constant 1.000000e+00 : f32
    %broadcast_in_dim3A_24 = vector.broadcast %broadcast_in_dim3A_23 : f32 to vector<16xf32>
    %swap3A_25 = arith.constant 64 : index
    %swap3A_26 = tpu.vector_load %arg7[%swap3A_25] {strides = array<i32>} : memref<128xf32, #tpu.memory_space<vmem>>, vector<16xf32>,
    %swap3A_27 = vector.shape_cast %swap3A_26 : vector<16xf32> to vector<16xf32>
    %swap3A_28 = vector.shape_cast %broadcast_in_dim3A_24 : vector<16xf32> to vector<16xf32>
    tpu.vector_store %arg7[%swap3A_25], %swap3A_28 {strides = array<i32>} : memref<128xf32, #tpu.memory_space<vmem>>, vector<16xf32>,
    %broadcast_in_dim3A_29 = arith.constant 1.000000e+00 : f32
    %broadcast_in_dim3A_30 = vector.broadcast %broadcast_in_dim3A_29 : f32 to vector<16xf32>
    %swap3A_31 = arith.constant 80 : index
    %swap3A_32 = tpu.vector_load %arg7[%swap3A_31] {strides = array<i32>} : memref<128xf32, #tpu.memory_space<vmem>>, vector<16xf32>,
    %swap3A_33 = vector.shape_cast %swap3A_32 : vector<16xf32> to vector<16xf32>
    %swap3A_34 = vector.shape_cast %broadcast_in_dim3A_30 : vector<16xf32> to vector<16xf32>
    tpu.vector_store %arg7[%swap3A_31], %swap3A_34 {strides = array<i32>} : memref<128xf32, #tpu.memory_space<vmem>>, vector<16xf32>,
    %broadcast_in_dim3A_35 = arith.constant 1.000000e+00 : f32
    %broadcast_in_dim3A_36 = vector.broadcast %broadcast_in_dim3A_35 : f32 to vector<16xf32>
    %swap3A_37 = arith.constant 96 : index
    %swap3A_38 = tpu.vector_load %arg7[%swap3A_37] {strides = array<i32>} : memref<128xf32, #tpu.memory_space<vmem>>, vector<16xf32>,
    %swap3A_39 = vector.shape_cast %swap3A_38 : vector<16xf32> to vector<16xf32>
    %swap3A_40 = vector.shape_cast %broadcast_in_dim3A_36 : vector<16xf32> to vector<16xf32>
    tpu.vector_store %arg7[%swap3A_37], %swap3A_40 {strides = array<i32>} : memref<128xf32, #tpu.memory_space<vmem>>, vector<16xf32>,
    %broadcast_in_dim3A_41 = arith.constant 1.000000e+00 : f32
    %broadcast_in_dim3A_42 = vector.broadcast %broadcast_in_dim3A_41 : f32 to vector<16xf32>
    %swap3A_43 = arith.constant 112 : index
    %swap3A_44 = tpu.vector_load %arg7[%swap3A_43] {strides = array<i32>} : memref<128xf32, #tpu.memory_space<vmem>>, vector<16xf32>,
    %swap3A_45 = vector.shape_cast %swap3A_44 : vector<16xf32> to vector<16xf32>
    %swap3A_46 = vector.shape_cast %broadcast_in_dim3A_42 : vector<16xf32> to vector<16xf32>
    tpu.vector_store %arg7[%swap3A_43], %swap3A_46 {strides = array<i32>} : memref<128xf32, #tpu.memory_space<vmem>>, vector<16xf32>,
    %eq3A = arith.constant 0 : i32
    %eq3A_47 = arith.cmpi eq, %arg0, %eq3A : i32
    %convert_element_type3A = arith.extui %eq3A_47 : i1 to i32
    %cond3A = arith.constant 0 : i32
    %cond3A_48 = arith.cmpi ne, %convert_element_type3A, %cond3A : i32
    scf.if %cond3A_48 {
      %mul3A_80 = arith.constant 20000 : i32
      %mul3A_81 = arith.muli %arg1, %mul3A_80 : i32
      "tpu.region"() ({
        %run_scoped3A = tpu.sem_alloc : memref<!tpu.dma_semaphore, #tpu.memory_space<semaphore_mem>>
        %dma_start3A_82 = tpu.memref_slice %arg2[%mul3A_81] : memref<320000xi32, #tpu.memory_space<hbm>> -> memref<20000xi32, #tpu.memory_space<hbm>>
        %dma_start3A_83 = tpu.memref_slice %arg2[%mul3A_81] : memref<320000xi32, #tpu.memory_space<hbm>> -> memref<20000xi32, #tpu.memory_space<hbm>>
        tpu.enqueue_dma source(%dma_start3A_83 : memref<20000xi32, #tpu.memory_space<hbm>>) target(%arg6 : memref<20000xi32, #tpu.memory_space<vmem>>) target_semaphore(%run_scoped3A : memref<!tpu.dma_semaphore, #tpu.memory_space<semaphore_mem>>)
        %dma_wait3A_84 = tpu.memref_slice %arg2[%mul3A_81] : memref<320000xi32, #tpu.memory_space<hbm>> -> memref<20000xi32, #tpu.memory_space<hbm>>
        %dma_wait3A_85 = tpu.memref_slice %arg2[%mul3A_81] : memref<320000xi32, #tpu.memory_space<hbm>> -> memref<20000xi32, #tpu.memory_space<hbm>>
        tpu.wait_dma2 semaphore(%run_scoped3A : memref<!tpu.dma_semaphore, #tpu.memory_space<semaphore_mem>>) src(%dma_wait3A_85 : memref<20000xi32, #tpu.memory_space<hbm>>) dst(%arg6 : memref<20000xi32, #tpu.memory_space<vmem>>)
        tpu.yield
      }) : () -> ()
    } else {
    }
    %eq3A_49 = arith.constant 1 : i32
    %eq3A_50 = arith.cmpi eq, %arg0, %eq3A_49 : i32
    %convert_element_type3A_51 = arith.extui %eq3A_50 : i1 to i32
    %cond3A_52 = arith.constant 0 : i32
    %cond3A_53 = arith.cmpi ne, %convert_element_type3A_51, %cond3A_52 : i32
    scf.if %cond3A_53 {
      %mul3A_80 = arith.constant 20000 : i32
      %mul3A_81 = arith.muli %arg1, %mul3A_80 : i32
      "tpu.region"() ({
        %run_scoped3A = tpu.sem_alloc : memref<!tpu.dma_semaphore, #tpu.memory_space<semaphore_mem>>
        %dma_start3A_82 = tpu.memref_slice %arg3[%mul3A_81] : memref<320000xi32, #tpu.memory_space<hbm>> -> memref<20000xi32, #tpu.memory_space<hbm>>
        %dma_start3A_83 = tpu.memref_slice %arg3[%mul3A_81] : memref<320000xi32, #tpu.memory_space<hbm>> -> memref<20000xi32, #tpu.memory_space<hbm>>
        tpu.enqueue_dma source(%dma_start3A_83 : memref<20000xi32, #tpu.memory_space<hbm>>) target(%arg6 : memref<20000xi32, #tpu.memory_space<vmem>>) target_semaphore(%run_scoped3A : memref<!tpu.dma_semaphore, #tpu.memory_space<semaphore_mem>>)
        %dma_wait3A_84 = tpu.memref_slice %arg3[%mul3A_81] : memref<320000xi32, #tpu.memory_space<hbm>> -> memref<20000xi32, #tpu.memory_space<hbm>>
        %dma_wait3A_85 = tpu.memref_slice %arg3[%mul3A_81] : memref<320000xi32, #tpu.memory_space<hbm>> -> memref<20000xi32, #tpu.memory_space<hbm>>
        tpu.wait_dma2 semaphore(%run_scoped3A : memref<!tpu.dma_semaphore, #tpu.memory_space<semaphore_mem>>) src(%dma_wait3A_85 : memref<20000xi32, #tpu.memory_space<hbm>>) dst(%arg6 : memref<20000xi32, #tpu.memory_space<vmem>>)
        tpu.yield
      }) : () -> ()
    } else {
    }
    %barrier3A = arith.constant 0 : index
    tpu.barrier barrier_id(%barrier3A)
    %scan3A = arith.constant 0 : i32
    %scan3A_54 = arith.constant 0 : i32
    %scan3A_55 = arith.constant 156 : i32
    %scan3A_56 = arith.addi %scan3A_54, %scan3A_55 : i32
    %scan3A_57 = arith.constant 1 : i32
    scf.for %scan3A_80 = %scan3A_54 to %scan3A_56 step %scan3A_57  : i32 {
      %mul3A_81 = arith.constant 128 : i32
      %mul3A_82 = arith.muli %scan3A_80, %mul3A_81 : i32
      %dma_start3A_83 = tpu.memref_slice %arg6[%mul3A_82] : memref<20000xi32, #tpu.memory_space<vmem>> -> memref<128xi32, #tpu.memory_space<vmem>>
      %dma_start3A_84 = arith.constant 0 : i32
      %dma_start3A_85 = tpu.memref_slice %arg8[%dma_start3A_84] : memref<10240xf32, #tpu.memory_space<vmem_shared>> -> memref<10240xf32, #tpu.memory_space<vmem_shared>>
      tpu.enqueue_indirect_dma source(%arg7 : memref<128xf32, #tpu.memory_space<vmem>>) target(%dma_start3A_85 : memref<10240xf32, #tpu.memory_space<vmem_shared>>) offsets(%dma_start3A_83 : memref<128xi32, #tpu.memory_space<vmem>>) semaphore(%arg9 : memref<!tpu.dma_semaphore, #tpu.memory_space<semaphore_mem>>) {add = true}
    }
    %scan3A_58 = arith.constant 156 : i32
    %dma_start3A = arith.constant 0 : i32
    %dma_start3A_59 = tpu.memref_slice %arg7[%dma_start3A] : memref<128xf32, #tpu.memory_space<vmem>> -> memref<32xf32, #tpu.memory_space<vmem>>
    %dma_start3A_60 = arith.constant 19968 : i32
    %dma_start3A_61 = tpu.memref_slice %arg6[%dma_start3A_60] : memref<20000xi32, #tpu.memory_space<vmem>> -> memref<32xi32, #tpu.memory_space<vmem>>
    %dma_start3A_62 = arith.constant 0 : i32
    %dma_start3A_63 = tpu.memref_slice %arg8[%dma_start3A_62] : memref<10240xf32, #tpu.memory_space<vmem_shared>> -> memref<10240xf32, #tpu.memory_space<vmem_shared>>
    tpu.enqueue_indirect_dma source(%dma_start3A_59 : memref<32xf32, #tpu.memory_space<vmem>>) target(%dma_start3A_63 : memref<10240xf32, #tpu.memory_space<vmem_shared>>) offsets(%dma_start3A_61 : memref<32xi32, #tpu.memory_space<vmem>>) semaphore(%arg9 : memref<!tpu.dma_semaphore, #tpu.memory_space<semaphore_mem>>) {add = true}
    %scan3A_64 = arith.constant 0 : i32
    %scan3A_65 = arith.constant 0 : i32
    %scan3A_66 = arith.constant 156 : i32
    %scan3A_67 = arith.addi %scan3A_65, %scan3A_66 : i32
    %scan3A_68 = arith.constant 1 : i32
    scf.for %scan3A_80 = %scan3A_65 to %scan3A_67 step %scan3A_68  : i32 {
      %mul3A_81 = arith.constant 128 : i32
      %mul3A_82 = arith.muli %scan3A_80, %mul3A_81 : i32
      %dma_wait3A_83 = tpu.memref_slice %arg6[%mul3A_82] : memref<20000xi32, #tpu.memory_space<vmem>> -> memref<128xi32, #tpu.memory_space<vmem>>
      %dma_wait3A_84 = arith.constant 0 : i32
      %dma_wait3A_85 = tpu.memref_slice %arg8[%dma_wait3A_84] : memref<10240xf32, #tpu.memory_space<vmem_shared>> -> memref<10240xf32, #tpu.memory_space<vmem_shared>>
      tpu.wait_indirect_dma semaphore(%arg9 : memref<!tpu.dma_semaphore, #tpu.memory_space<semaphore_mem>>) src(%arg7 : memref<128xf32, #tpu.memory_space<vmem>>) dst(%dma_wait3A_85 : memref<10240xf32, #tpu.memory_space<vmem_shared>>)
    }
    %scan3A_69 = arith.constant 156 : i32
    %dma_wait3A = arith.constant 0 : i32
    %dma_wait3A_70 = tpu.memref_slice %arg7[%dma_wait3A] : memref<128xf32, #tpu.memory_space<vmem>> -> memref<32xf32, #tpu.memory_space<vmem>>
    %dma_wait3A_71 = arith.constant 19968 : i32
    %dma_wait3A_72 = tpu.memref_slice %arg6[%dma_wait3A_71] : memref<20000xi32, #tpu.memory_space<vmem>> -> memref<32xi32, #tpu.memory_space<vmem>>
    %dma_wait3A_73 = arith.constant 0 : i32
    %dma_wait3A_74 = tpu.memref_slice %arg8[%dma_wait3A_73] : memref<10240xf32, #tpu.memory_space<vmem_shared>> -> memref<10240xf32, #tpu.memory_space<vmem_shared>>
    tpu.wait_indirect_dma semaphore(%arg9 : memref<!tpu.dma_semaphore, #tpu.memory_space<semaphore_mem>>) src(%dma_wait3A_70 : memref<32xf32, #tpu.memory_space<vmem>>) dst(%dma_wait3A_74 : memref<10240xf32, #tpu.memory_space<vmem_shared>>)
    %barrier3A_75 = arith.constant 0 : index
    tpu.barrier barrier_id(%barrier3A_75)
    %mul3A_76 = arith.constant 640 : i32
    %mul3A_77 = arith.muli %arg1, %mul3A_76 : i32
    %mul3A_78 = arith.constant 640 : i32
    %mul3A_79 = arith.muli %arg1, %mul3A_78 : i32
    "tpu.region"() ({
      %run_scoped3A = tpu.sem_alloc : memref<!tpu.dma_semaphore, #tpu.memory_space<semaphore_mem>>
      %dma_start3A_80 = tpu.memref_slice %arg5[%arg0, %mul3A_79] : memref<2x10240xf32, #tpu.memory_space<hbm>> -> memref<1x640xf32, #tpu.memory_space<hbm>>
      %dma_start3A_81 = tpu.memref_squeeze %dma_start3A_80 : memref<1x640xf32, #tpu.memory_space<hbm>> -> memref<640xf32, #tpu.memory_space<hbm>>
      %dma_start3A_82 = tpu.memref_slice %arg8[%mul3A_77] : memref<10240xf32, #tpu.memory_space<vmem_shared>> -> memref<640xf32, #tpu.memory_space<vmem_shared>>
      tpu.enqueue_dma source(%dma_start3A_82 : memref<640xf32, #tpu.memory_space<vmem_shared>>) target(%dma_start3A_81 : memref<640xf32, #tpu.memory_space<hbm>>) target_semaphore(%run_scoped3A : memref<!tpu.dma_semaphore, #tpu.memory_space<semaphore_mem>>)
      %dma_wait3A_83 = tpu.memref_slice %arg5[%arg0, %mul3A_79] : memref<2x10240xf32, #tpu.memory_space<hbm>> -> memref<1x640xf32, #tpu.memory_space<hbm>>
      %dma_wait3A_84 = tpu.memref_squeeze %dma_wait3A_83 : memref<1x640xf32, #tpu.memory_space<hbm>> -> memref<640xf32, #tpu.memory_space<hbm>>
      %dma_wait3A_85 = tpu.memref_slice %arg8[%mul3A_77] : memref<10240xf32, #tpu.memory_space<vmem_shared>> -> memref<640xf32, #tpu.memory_space<vmem_shared>>
      tpu.wait_dma2 semaphore(%run_scoped3A : memref<!tpu.dma_semaphore, #tpu.memory_space<semaphore_mem>>) src(%dma_wait3A_85 : memref<640xf32, #tpu.memory_space<vmem_shared>>) dst(%dma_wait3A_84 : memref<640xf32, #tpu.memory_space<hbm>>)
      tpu.yield
    }) : () -> ()
    return
  }
}

module attributes {stable_mosaic.version = 14 : i64} {
  func.func @_prescale_body(%arg0: i32, %arg1: memref<2048x128xf32, #tpu.memory_space<vmem>>, %arg2: memref<128x128xf32, #tpu.memory_space<vmem>>, %arg3: memref<128x128xf32, #tpu.memory_space<vmem>>, %arg4: memref<2048x2xf32, #tpu.memory_space<vmem>>, %arg5: memref<2x2048x128xf32, #tpu.memory_space<vmem>>, %arg6: memref<2048x2xf32, #tpu.memory_space<vmem>>) attributes {dimension_semantics = [#tpu.dimension_semantics<arbitrary>], iteration_bounds = array<i64: 5>, scalar_prefetch = 0 : i64, scratch_operands = 0 : i64, tpu.core_type = #tpu.core_type<tc>, window_params = [{transform_indices = @transform_0, window_bounds = array<i64: 2048, 128>}, {pipeline_mode = #tpu.pipeline_mode<synchronous>, transform_indices = @transform_1, window_bounds = array<i64: 128, 128>}, {pipeline_mode = #tpu.pipeline_mode<synchronous>, transform_indices = @transform_2, window_bounds = array<i64: 128, 128>}, {transform_indices = @transform_3, window_bounds = array<i64: 2048, 2>}, {transform_indices = @transform_4, window_bounds = array<i64: 2, 2048, 128>}, {transform_indices = @transform_5, window_bounds = array<i64: 2048, 2>}]} {
    %get3A = arith.constant 0 : index
    %get3A_0 = arith.constant 0 : index
    %get3A_1 = vector.load %arg1[%get3A, %get3A_0] : memref<2048x128xf32, #tpu.memory_space<vmem>>, vector<2048x128xf32>
    %get3A_2 = arith.constant 0 : index
    %get3A_3 = arith.constant 0 : index
    %get3A_4 = vector.load %arg2[%get3A_2, %get3A_3] : memref<128x128xf32, #tpu.memory_space<vmem>>, vector<128x128xf32>
    %dot_general3A = arith.constant dense<0.000000e+00> : vector<2048x128xf32>
    %dot_general3A_5 = tpu.matmul %get3A_1, %get3A_4, %dot_general3A {dimension_numbers = #tpu.dot_dimension_numbers<[1], [1], [0], [0], [0, 0, 1, 0], [], []>, transpose_lhs_hint = false} : vector<2048x128xf32>, vector<128x128xf32>, vector<2048x128xf32> -> vector<2048x128xf32>
    %get3A_6 = arith.constant 0 : index
    %get3A_7 = arith.constant 0 : index
    %get3A_8 = vector.load %arg3[%get3A_6, %get3A_7] : memref<128x128xf32, #tpu.memory_space<vmem>>, vector<128x128xf32>
    %dot_general3A_9 = arith.constant dense<0.000000e+00> : vector<2048x128xf32>
    %dot_general3A_10 = tpu.matmul %get3A_1, %get3A_8, %dot_general3A_9 {dimension_numbers = #tpu.dot_dimension_numbers<[1], [1], [0], [0], [0, 0, 1, 0], [], []>, transpose_lhs_hint = false} : vector<2048x128xf32>, vector<128x128xf32>, vector<2048x128xf32> -> vector<2048x128xf32>
    %get3A_11 = arith.constant 0 : index
    %get3A_12 = arith.constant 0 : index
    %get3A_13 = vector.load %arg4[%get3A_11, %get3A_12] : memref<2048x2xf32, #tpu.memory_space<vmem>>, vector<2048x2xf32>
    %gt3A = arith.constant 0.000000e+00 : f32
    %gt3A_14 = vector.broadcast %gt3A : f32 to vector<2048x2xf32>
    %gt3A_15 = arith.cmpf ogt, %get3A_13, %gt3A_14 : vector<2048x2xf32>
    %rsqrt3A = math.rsqrt %get3A_13 : vector<2048x2xf32>
    %jit3A = arith.constant 0.000000e+00 : f32
    %broadcast_in_dim3A = vector.broadcast %jit3A : f32 to vector<2048x2xf32>
    %select_n3A = arith.select %gt3A_15, %rsqrt3A, %broadcast_in_dim3A : vector<2048x2xi1>, vector<2048x2xf32>
    %slice3A = vector.extract_strided_slice %select_n3A {offsets = [0, 0], sizes = [2048, 1], strides = [1, 1]} : vector<2048x2xf32> to vector<2048x1xf32>
    %slice3A_16 = vector.extract_strided_slice %select_n3A {offsets = [0, 1], sizes = [2048, 1], strides = [1, 1]} : vector<2048x2xf32> to vector<2048x1xf32>
    %mul3A = vector.broadcast %slice3A_16 : vector<2048x1xf32> to vector<2048x128xf32>
    %mul3A_17 = arith.mulf %mul3A, %dot_general3A_5 : vector<2048x128xf32>
    %swap3A = arith.constant 0 : index
    %swap3A_18 = arith.constant 0 : index
    %swap3A_19 = arith.constant 0 : index
    %swap3A_20 = vector.load %arg5[%swap3A, %swap3A_18, %swap3A_19] : memref<2x2048x128xf32, #tpu.memory_space<vmem>>, vector<1x2048x128xf32>
    %swap3A_21 = vector.shape_cast %swap3A_20 : vector<1x2048x128xf32> to vector<2048x128xf32>
    %swap3A_22 = vector.shape_cast %mul3A_17 : vector<2048x128xf32> to vector<1x2048x128xf32>
    tpu.vector_store %arg5[%swap3A, %swap3A_18, %swap3A_19], %swap3A_22 {strides = array<i32>} : memref<2x2048x128xf32, #tpu.memory_space<vmem>>, vector<1x2048x128xf32>,
    %mul3A_23 = vector.broadcast %slice3A : vector<2048x1xf32> to vector<2048x128xf32>
    %mul3A_24 = arith.mulf %mul3A_23, %dot_general3A_10 : vector<2048x128xf32>
    %swap3A_25 = arith.constant 1 : index
    %swap3A_26 = arith.constant 0 : index
    %swap3A_27 = arith.constant 0 : index
    %swap3A_28 = vector.load %arg5[%swap3A_25, %swap3A_26, %swap3A_27] : memref<2x2048x128xf32, #tpu.memory_space<vmem>>, vector<1x2048x128xf32>
    %swap3A_29 = vector.shape_cast %swap3A_28 : vector<1x2048x128xf32> to vector<2048x128xf32>
    %swap3A_30 = vector.shape_cast %mul3A_24 : vector<2048x128xf32> to vector<1x2048x128xf32>
    tpu.vector_store %arg5[%swap3A_25, %swap3A_26, %swap3A_27], %swap3A_30 {strides = array<i32>} : memref<2x2048x128xf32, #tpu.memory_space<vmem>>, vector<1x2048x128xf32>,
    %mul3A_31 = arith.constant 5.000000e-01 : f32
    %mul3A_32 = vector.broadcast %mul3A_31 : f32 to vector<2048x1xf32>
    %mul3A_33 = arith.mulf %mul3A_32, %slice3A : vector<2048x1xf32>
    %mul3A_34 = arith.constant 5.000000e-01 : f32
    %mul3A_35 = vector.broadcast %mul3A_34 : f32 to vector<2048x1xf32>
    %mul3A_36 = arith.mulf %mul3A_35, %slice3A_16 : vector<2048x1xf32>
    %concatenate3A = tpu.concatenate %mul3A_33, %mul3A_36 in 1 : vector<2048x1xf32>, vector<2048x1xf32> -> vector<2048x2xf32>
    %swap3A_37 = arith.constant 0 : index
    %swap3A_38 = arith.constant 0 : index
    %swap3A_39 = vector.load %arg6[%swap3A_37, %swap3A_38] : memref<2048x2xf32, #tpu.memory_space<vmem>>, vector<2048x2xf32>
    tpu.vector_store %arg6[%swap3A_37, %swap3A_38], %concatenate3A {strides = array<i32>} : memref<2048x2xf32, #tpu.memory_space<vmem>>, vector<2048x2xf32>,
    return
  }
  func.func @transform_0(%arg0: i32) -> (i32, i32) {
    %c0_i32 = arith.constant 0 : i32
    %c0_i32_0 = arith.constant 0 : i32
    return %arg0, %c0_i32 : i32, i32
  }
  func.func @transform_1(%arg0: i32) -> (i32, i32) {
    %c0_i32 = arith.constant 0 : i32
    %c0_i32_0 = arith.constant 0 : i32
    %c0_i32_1 = arith.constant 0 : i32
    return %c0_i32, %c0_i32_0 : i32, i32
  }
  func.func @transform_2(%arg0: i32) -> (i32, i32) {
    %c0_i32 = arith.constant 0 : i32
    %c0_i32_0 = arith.constant 0 : i32
    %c0_i32_1 = arith.constant 0 : i32
    return %c0_i32, %c0_i32_0 : i32, i32
  }
  func.func @transform_3(%arg0: i32) -> (i32, i32) {
    %c0_i32 = arith.constant 0 : i32
    %c0_i32_0 = arith.constant 0 : i32
    return %arg0, %c0_i32 : i32, i32
  }
  func.func @transform_4(%arg0: i32) -> (i32, i32, i32) {
    %c0_i32 = arith.constant 0 : i32
    %c0_i32_0 = arith.constant 0 : i32
    %c0_i32_1 = arith.constant 0 : i32
    return %c0_i32, %arg0, %c0_i32_0 : i32, i32, i32
  }
  func.func @transform_5(%arg0: i32) -> (i32, i32) {
    %c0_i32 = arith.constant 0 : i32
    %c0_i32_0 = arith.constant 0 : i32
    return %arg0, %c0_i32 : i32, i32
  }
}

module attributes {stable_mosaic.version = 14 : i64} {
  func.func @_combine_body(%arg0: i32, %arg1: memref<2x2048x128xf32, #tpu.memory_space<vmem>>, %arg2: memref<2048x2xf32, #tpu.memory_space<vmem>>, %arg3: memref<1x128xf32, #tpu.memory_space<vmem>>, %arg4: memref<1x128xf32, #tpu.memory_space<vmem>>, %arg5: memref<2048x128xf32, #tpu.memory_space<vmem>>) attributes {dimension_semantics = [#tpu.dimension_semantics<arbitrary>], iteration_bounds = array<i64: 5>, scalar_prefetch = 0 : i64, scratch_operands = 0 : i64, tpu.core_type = #tpu.core_type<tc>, window_params = [{transform_indices = @transform_0, window_bounds = array<i64: 2, 2048, 128>}, {transform_indices = @transform_1, window_bounds = array<i64: 2048, 2>}, {pipeline_mode = #tpu.pipeline_mode<synchronous>, transform_indices = @transform_2, window_bounds = array<i64: 1, 128>}, {pipeline_mode = #tpu.pipeline_mode<synchronous>, transform_indices = @transform_3, window_bounds = array<i64: 1, 128>}, {transform_indices = @transform_4, window_bounds = array<i64: 2048, 128>}]} {
    %get3A = arith.constant 0 : index
    %get3A_0 = arith.constant 0 : index
    %get3A_1 = vector.load %arg2[%get3A, %get3A_0] : memref<2048x2xf32, #tpu.memory_space<vmem>>, vector<2048x2xf32>
    %get3A_2 = arith.constant 0 : index
    %get3A_3 = arith.constant 0 : index
    %get3A_4 = vector.load %arg3[%get3A_2, %get3A_3] : memref<1x128xf32, #tpu.memory_space<vmem>>, vector<1x128xf32>
    %mul3A = arith.constant 5.000000e-01 : f32
    %mul3A_5 = vector.broadcast %mul3A : f32 to vector<1x128xf32>
    %mul3A_6 = arith.mulf %mul3A_5, %get3A_4 : vector<1x128xf32>
    %get3A_7 = arith.constant 0 : index
    %get3A_8 = arith.constant 0 : index
    %get3A_9 = vector.load %arg4[%get3A_7, %get3A_8] : memref<1x128xf32, #tpu.memory_space<vmem>>, vector<1x128xf32>
    %mul3A_10 = arith.constant 5.000000e-01 : f32
    %mul3A_11 = vector.broadcast %mul3A_10 : f32 to vector<1x128xf32>
    %mul3A_12 = arith.mulf %mul3A_11, %get3A_9 : vector<1x128xf32>
    %add3A = arith.addf %mul3A_6, %mul3A_12 : vector<1x128xf32>
    %slice3A = vector.extract_strided_slice %get3A_1 {offsets = [0, 0], sizes = [2048, 1], strides = [1, 1]} : vector<2048x2xf32> to vector<2048x1xf32>
    %get3A_13 = arith.constant 0 : index
    %get3A_14 = arith.constant 0 : index
    %get3A_15 = arith.constant 0 : index
    %get3A_16 = vector.load %arg1[%get3A_13, %get3A_14, %get3A_15] : memref<2x2048x128xf32, #tpu.memory_space<vmem>>, vector<1x2048x128xf32>
    %get3A_17 = vector.shape_cast %get3A_16 : vector<1x2048x128xf32> to vector<2048x128xf32>
    %mul3A_18 = vector.broadcast %slice3A : vector<2048x1xf32> to vector<2048x128xf32>
    %mul3A_19 = arith.mulf %mul3A_18, %get3A_17 : vector<2048x128xf32>
    %slice3A_20 = vector.extract_strided_slice %get3A_1 {offsets = [0, 1], sizes = [2048, 1], strides = [1, 1]} : vector<2048x2xf32> to vector<2048x1xf32>
    %get3A_21 = arith.constant 1 : index
    %get3A_22 = arith.constant 0 : index
    %get3A_23 = arith.constant 0 : index
    %get3A_24 = vector.load %arg1[%get3A_21, %get3A_22, %get3A_23] : memref<2x2048x128xf32, #tpu.memory_space<vmem>>, vector<1x2048x128xf32>
    %get3A_25 = vector.shape_cast %get3A_24 : vector<1x2048x128xf32> to vector<2048x128xf32>
    %mul3A_26 = vector.broadcast %slice3A_20 : vector<2048x1xf32> to vector<2048x128xf32>
    %mul3A_27 = arith.mulf %mul3A_26, %get3A_25 : vector<2048x128xf32>
    %add3A_28 = arith.addf %mul3A_19, %mul3A_27 : vector<2048x128xf32>
    %add3A_29 = vector.broadcast %add3A : vector<1x128xf32> to vector<2048x128xf32>
    %add3A_30 = arith.addf %add3A_28, %add3A_29 : vector<2048x128xf32>
    %swap3A = arith.constant 0 : index
    %swap3A_31 = arith.constant 0 : index
    %swap3A_32 = vector.load %arg5[%swap3A, %swap3A_31] : memref<2048x128xf32, #tpu.memory_space<vmem>>, vector<2048x128xf32>
    tpu.vector_store %arg5[%swap3A, %swap3A_31], %add3A_30 {strides = array<i32>} : memref<2048x128xf32, #tpu.memory_space<vmem>>, vector<2048x128xf32>,
    return
  }
  func.func @transform_0(%arg0: i32) -> (i32, i32, i32) {
    %c0_i32 = arith.constant 0 : i32
    %c0_i32_0 = arith.constant 0 : i32
    %c0_i32_1 = arith.constant 0 : i32
    return %c0_i32, %arg0, %c0_i32_0 : i32, i32, i32
  }
  func.func @transform_1(%arg0: i32) -> (i32, i32) {
    %c0_i32 = arith.constant 0 : i32
    %c0_i32_0 = arith.constant 0 : i32
    return %arg0, %c0_i32 : i32, i32
  }
  func.func @transform_2(%arg0: i32) -> (i32, i32) {
    %c0_i32 = arith.constant 0 : i32
    %c0_i32_0 = arith.constant 0 : i32
    %c0_i32_1 = arith.constant 0 : i32
    return %c0_i32, %c0_i32_0 : i32, i32
  }
  func.func @transform_3(%arg0: i32) -> (i32, i32) {
    %c0_i32 = arith.constant 0 : i32
    %c0_i32_0 = arith.constant 0 : i32
    %c0_i32_1 = arith.constant 0 : i32
    return %c0_i32, %c0_i32_0 : i32, i32
  }
  func.func @transform_4(%arg0: i32) -> (i32, i32) {
    %c0_i32 = arith.constant 0 : i32
    %c0_i32_0 = arith.constant 0 : i32
    return %arg0, %c0_i32 : i32, i32
  }
}

</mosaic_0001>

<sc_bundles>
// kernel: kernel.6.cloned.1.call-start
scs
__scs_entry_jumppad:
0x0: {  	(pc) =	sbr.rel $0x88, $3  }
0x1: {  	(tag) =	ssettag $0x0;
	lr =	simm.s32 $0x1  }
0x2: {  	[smem:$0x3F9B] =	sst lr;
	_ =	strace $0xD0000000  }
0x3: {  	_ = 	snop  }
0x4: {  	_ = 	snop  }
0x5: {  	_ = 	snop  }
0x6: {  	_ = 	snop  }
0x7: {  	_ = 	snop  }
__scs_overlays_trampoline_lowered:
0x8: {  	[smem:$0x3FAA] =	sst s0  }
0x9: {  	[smem:$0x3FAB] =	sst s1  }
0xa: {  	[smem:$0x3FAC] =	sst s2  }
0xb: {  	[smem:$0x3FAD] =	sst s3  }
0xc: {  	[smem:$0x3FAE] =	sst s4  }
0xd: {  	[smem:$0x3FAF] =	sst s5  }
0xe: {  	[smem:$0x3FB0] =	sst s6  }
0xf: {  	[smem:$0x3FB1] =	sst s7  }
0x10: {  	[smem:$0x3FB2] =	sst s8  }
0x11: {  	[smem:$0x3FB3] =	sst s9;
	s0 =	simm.s32 @!p0 $0x0  }
0x12: {  	s1 =	sld [smem:$0x3F99];
	s0 =	simm.s32 @p0 $0x1  }
0x13: {  	[smem:$0x3FB4] =	sst s0;
	s0 =	simm.s32 @!p1 $0x0  }
0x14: {  	s2 =	sld [smem:$0x3F98];
	s0 =	simm.s32 @p1 $0x1  }
0x15: {  	[smem:$0x3FB5] =	sst s0;
	s0 =	simm.s32 @!p2 $0x0  }
0x16: {  	s3 =	sld [smem:$0x3FDB];
	s0 =	simm.s32 @p2 $0x1  }
0x17: {  	s4 =	simm.s32 $0x1BF5;
	[smem:$0x3FB7] =	sst s0  }
0x18: {  	s0 =	sld [smem:$0x3F9A];
	_ =	swait.ge [sflag:s4], $0x0  }
0x19: {  	s7 =	sld [smem:$0x3F9B]  }
0x1a: {  	s8 =	sadd.s32 $0xFFFFE003, lr  }
0x1b: {  	s9 =	sadd.s32 $0xFFFFFEF7, lr;
	s5 =	simm.s32 $0xFFFFFFFF;
	p2 =	slt.u32 s8, $0xFFFFF086  }
0x1c: {  	p1 =	slt.u32 s9, $0xF7A;
	s5 =	simm.s32 @!p2 $0x0  }
0x1d: {  	s5 =	simm.s32 @p1 $0x1;
	p0 =	seq.s32 s7, s2  }
0x1e: {  	s7 =	smul.u32 @!p0 $0xF7A, s2;
	p2 =	seq.s32 @!p0 s5, $0x0  }
0x1f: {  	s9 =	smul.u32 $0xF7A, s1;
	s8 =	simm.s32 @!p0 $0x1BF5;
	p2 =	por !p2, p0  }
0x20: {  	[sflag:s8] =	ssyncset.s32 @!p0 $0xFFFFF086;
	s6 =	sadd.s32 @!p0 s3, s7;
	s7 =	simm.s32 @!p0 $0x108  }
0x21: {  	s3 =	sadd.s32 s3, s9;
	s6 =	sadd.s32 @!p0 $0x88, s6;
	s7 =	simm.s32 @p2 $0x1082  }
0x22: {  	[simem:s7], [sflag:s8] =	dma.local @!p0 [hbm:s6], $0xF7A  }
0x23: {  	s9 =	sor.u32 $0xD0000000, s2;
	s6 =	simm.s32 $0x108;
	_ =	swait.ge @!p0 [sflag:s8], $0x0  }
0x24: {  	s3 =	sadd.s32 $0x88, s3;
	s6 =	simm.s32 @!p1 $0x1082;
	[sflag:s4] =	ssyncset.s32 $0xFFFFF086  }
0x25: {  	[simem:s6], [sflag:s4] =	dma.local [hbm:s3], $0xF7A  }
0x26: {  	[smem:$0x3F9B] =	sst s1;
	(tag) =	ssettag s2;
	_ =	strace s9  }
0x27: {  	s1 =	sld [smem:$0x3FAB]  }
0x28: {  	s2 =	sld [smem:$0x3FAC]  }
0x29: {  	s4 =	sld [smem:$0x3FAE]  }
0x2a: {  	p0 =	seq.s32 s5, $0x0;
	s5 =	sld [smem:$0x3FAF]  }
0x2b: {  	s6 =	sld [smem:$0x3FB0]  }
0x2c: {  	s7 =	sld [smem:$0x3FB1]  }
0x2d: {  	s3 =	simm.s32 $0x108;
	s8 =	sld [smem:$0x3FB2]  }
0x2e: {  	s3 =	simm.s32 @!p0 $0x1082;
	s9 =	sld [smem:$0x3FB3]  }
0x2f: {  	lr =	sadd.s32 s0, s3;
	s0 =	sld [smem:$0x3FAA]  }
0x30: {  	s3 =	sld [smem:$0x3FAD]  }
0x31: {  	[smem:$0x3FB6] =	sst s10  }
0x32: {  	s10 =	sld [smem:$0x3FB4];
	_ =	sdelay $0x3  }
0x33: {  	p0 =	seq.s32 s10, $0x1;
	s10 =	sld [smem:$0x3FB6];
	_ =	sdelay $0x3  }
0x34: {  	[smem:$0x3FB6] =	sst s10  }
0x35: {  	s10 =	sld [smem:$0x3FB5];
	_ =	sdelay $0x3  }
0x36: {  	p1 =	seq.s32 s10, $0x1;
	s10 =	sld [smem:$0x3FB6];
	_ =	sdelay $0x3  }
0x37: {  	[smem:$0x3FB6] =	sst s10  }
0x38: {  	s10 =	sld [smem:$0x3FB7]  }
0x39: {  	_ = 	snop;
	(pc) =	sbr.ind lr, $3  }
0x3a: {  	_ = 	snop  }
0x3b: {  	_ = 	snop  }
0x3c: {  	p2 =	seq.s32 s10, $0x1;
	s10 =	sld [smem:$0x3FB6]  }
0x3d: {  	_ =	shalt  }
0x3e: {  	_ =	shalt  }
0x3f: {  	_ =	shalt  }
0x40: {  	_ =	shalt  }
0x41: {  	_ =	shalt  }
0x42: {  	_ =	shalt  }
0x43: {  	_ =	shalt  }
0x44: {  	_ =	shalt  }
0x45: {  	_ =	shalt  }
0x46: {  	_ =	shalt  }
0x47: {  	_ =	shalt  }
0x48: {  	_ =	shalt  }
0x49: {  	_ =	shalt  }
0x4a: {  	_ =	shalt  }
0x4b: {  	_ =	shalt  }
0x4c: {  	_ =	shalt  }
0x4d: {  	_ =	shalt  }
0x4e: {  	_ =	shalt  }
0x4f: {  	_ =	shalt  }
0x50: {  	_ =	shalt  }
0x51: {  	_ =	shalt  }
0x52: {  	_ =	shalt  }
0x53: {  	_ =	shalt  }
0x54: {  	_ =	shalt  }
0x55: {  	_ =	shalt  }
0x56: {  	_ =	shalt  }
0x57: {  	_ =	shalt  }
0x58: {  	_ =	shalt  }
0x59: {  	_ =	shalt  }
0x5a: {  	_ =	shalt  }
0x5b: {  	_ =	shalt  }
0x5c: {  	_ =	shalt  }
0x5d: {  	_ =	shalt  }
0x5e: {  	_ =	shalt  }
0x5f: {  	_ =	shalt  }
0x60: {  	_ =	shalt  }
0x61: {  	_ =	shalt  }
0x62: {  	_ =	shalt  }
0x63: {  	_ =	shalt  }
0x64: {  	_ =	shalt  }
0x65: {  	_ =	shalt  }
0x66: {  	_ =	shalt  }
0x67: {  	_ =	shalt  }
0x68: {  	_ =	shalt  }
0x69: {  	_ =	shalt  }
0x6a: {  	_ =	shalt  }
0x6b: {  	_ =	shalt  }
0x6c: {  	_ =	shalt  }
0x6d: {  	_ =	shalt  }
0x6e: {  	_ =	shalt  }
0x6f: {  	_ =	shalt  }
0x70: {  	_ =	shalt  }
0x71: {  	_ =	shalt  }
0x72: {  	_ =	shalt  }
0x73: {  	_ =	shalt  }
0x74: {  	_ =	shalt  }
0x75: {  	_ =	shalt  }
0x76: {  	_ =	shalt  }
0x77: {  	_ =	shalt  }
0x78: {  	_ =	shalt  }
0x79: {  	_ =	shalt  }
0x7a: {  	_ =	shalt  }
0x7b: {  	_ =	shalt  }
0x7c: {  	_ =	shalt  }
0x7d: {  	_ =	shalt  }
0x7e: {  	_ =	shalt  }
0x7f: {  	_ =	shalt  }
0x80: {  	_ =	shalt  }
0x81: {  	_ =	shalt  }
0x82: {  	_ =	shalt  }
0x83: {  	_ =	shalt  }
0x84: {  	_ =	shalt  }
0x85: {  	_ =	shalt  }
0x86: {  	_ =	shalt  }
0x87: {  	_ =	shalt  }
.Lfunc_end0:
.L_simem_size_0:
called_computation_lowered:
.L_overlay_start_0:
0x88: {  	s2 =	sld [smem:$0x3FD9]  }
0x89: {  	s3 =	sld [smem:$0x3FFE];
	_ =	sdelay $0x1  }
0x8a: {  	s1 =	srdreg.scid  }
0x8b: {  	s0 =	sand.u32 $0x1, s1  }
0x8c: {  	s17 =	sshll.u32 s0, $0xA;
	s2 =	sadd.s32 s3, s2  }
0x8d: {  	s2 =	sadd.s32 s2, s17  }
0x8e: {  	[smem:$0x3FC2] =	sst s2  }
0x8f: {  	_ = 	snop  }
0x90: {  	s2 =	sld [smem:$0x3FD0];
	(tm) =	ssettm $0x1  }
0x91: {  	s18 =	sld [smem:$0x3FFB];
	_ =	sdelay $0x3  }
0x92: {  	_ =	strace s18  }
0x93: {  	s3 =	sld [smem:$0x3FFC];
	_ =	sdelay $0x3  }
0x94: {  	_ =	strace s3  }
0x95: {  	s3 =	sld [smem:$0x3FFD];
	_ =	sdelay $0x3  }
0x96: {  	_ =	strace s3  }
0x97: {  	_ =	strace $0x8FFFFFFF  }
0x98: {  	s19 =	sld [smem:$0x3FDB];
	_ =	sdelay $0x1  }
0x99: {  	s4 =	simm.s32 $_scs_section_size  }
0x9a: {  	s5 =	simm.s32 $_size__tile_overlayer_lowered;
	s6 =	simm.s32 $_tile_overlayer_lowered  }
0x9b: {  	s22 =	simm.s32 $0x1BFF;
	s21 =	sshll.u32 s6, $0x1;
	s3 =	sadd.s32 s4, s19  }
0x9c: {  	s7 =	simm.s32 $0x0;
	s20 =	sshll.u32 s5, $0x1;
	s5 =	sadd.s32 s21, s3  }
0x9d: {  	[timem:s7], [sflag:s22] =	dma.local [hbm:s5], s20  }
0x9e: {  	_ =	swait.ge [sflag:s22], s20  }
0x9f: {  	s4 =	ssub.s32 $0x0, s20;
	[sflag:s22] =	ssyncset.done $0x0  }
0xa0: {  	[sflag:s22] =	ssyncadd.s32 s4;
	_ =	sdelay $0x1  }
0xa1: {  	s23 =	simm.s32 $0x1B8B  }
0xa2: {  	_ =	swait.ge [sflag:s23], $0x1  }
0xa3: {  	[sflag:s23] =	ssyncset.done $0x0  }
0xa4: {  	s25 =	simm.s32 $0x1B8E;
	s24 =	sld [smem:$0x3FFE];
	[sflag:s23] =	ssyncadd.s32 $0xFFFFFFFF  }
0xa5: {  	s26 =	simm.s32 $execute0_lowered;
	[smem:$0x3FD2] =	sst s25  }
0xa6: {  	s5 =	sshll.u32 s26, $0x1;
	_ =	strace $0x80000046;
	[dreg:$0x1] =	wrdreg $0xFFFFFFFF  }
0xa7: {  	s28 =	simm.s32 $_size_execute0_lowered;
	s3 =	sadd.s32 s3, s5;
	[dreg:$0x0] =	wrdreg $0x0  }
0xa8: {  	s5 =	sshll.u32 s28, $0x1;
	[dreg:$0x2] =	wrdreg s3  }
0xa9: {  	[dreg:$0x3] =	wrdreg s5  }
0xaa: {  	[dreg:$0x4] =	wrdreg $0xC0  }
0xab: {  	_ =	task [dreg:s7], $0x5FFFF  }
0xac: {  	[dreg:$0x1] =	wrdreg $0xFFFFFFFF  }
0xad: {  	[dreg:$0x0] =	wrdreg $0x60  }
0xae: {  	[dreg:$0x2] =	wrdreg s24  }
0xaf: {  	[dreg:$0x3] =	wrdreg s2  }
0xb0: {  	[dreg:$0x4] =	wrdreg $0x4F000  }
0xb1: {  	[dreg:$0x5] =	wrdreg $0x9  }
0xb2: {  	_ =	task.clear_ibuf [dreg:s7], $0x6FFFF;
	_ =	strace $0x90000046  }
0xb3: {  	s29 =	simm.s32 $0x9;
	_ =	strace $0x80000048  }
0xb4: {  	_ =	swait.ge [sflag:s29], $0x1  }
0xb5: {  	[sflag:s29] =	ssyncadd.s32 $0xFFFFFFFF  }
0xb6: {  	_ =	strace $0x90000048  }
0xb7: {  	_ =	sfence  }
0xb8: {  	s30 =	sld [smem:$0x0];
	_ =	sdelay $0x2  }
0xb9: {  	s31 =	sshll.u32 s1, $0xD;
	s1 =	sshrl.u32 s1, $0x2  }
0xba: {  	s3 =	sand.u32 $0x4000, s31;
	s1 =	sadd.s32 s1, s30  }
0xbb: {  	s0 =	sor.u32 s3, s0;
	s1 =	sshll.u32 s1, $0x11  }
0xbc: {  	s0 =	sor.u32 s1, s0  }
0xbd: {  	s0 =	sadd.s32 $0x8F2B, s0  }
0xbe: {  	[sflag:s0] =	ssyncadd.remote.s32 $0x1  }
0xbf: {  	_ =	sfence.sel $0xFFFF  }
0xc0: {  	[dreg:$0x0] =	wrdreg $0xFFFFFFFF;
	(pc) =	sbr.abs _section_cstart, $3  }
0xc1: {  	[dreg:$0x1] =	wrdreg $0xFFFFFFFF  }
0xc2: {  	_ =	task.clear_ibuf [dreg:s7], $0x2FFFF;
	_ =	strace $0x9FFFFFFF  }
0xc3: {  	(tm) =	ssettm $0x7FFFFFFF  }
tec
execute0_lowered:
.L_overlay_start_1:
0x0: {  	(tag) =	ssettag $0x1  }
0x1: {  	s5 =	rddreg [dreg:$0x0]  }
0x2: {  	s6 =	rddreg [dreg:$0x1]  }
0x3: {  	s2 =	rddreg [dreg:$0x2]  }
0x4: {  	s0 =	rddreg [dreg:$0x3]  }
0x5: {  	s3 =	simm.s32 $0x0;
	s4 =	srdreg.scid;
	s1 =	stileid.u32  }
0x6: {  	s14 =	simm.s32 $0x4E00;
	s15 =	simm.s32 $0x1;
	s16 =	simm.s32 $0x10  }
0x7: {  	s17 =	simm.s32 $0x0;
	[smem:$0x7FF] =	sst s3;
	s28 =	smul.u32 $0x500, s1  }
0x8: {  	s7 =	sand.u32 $0x1, s4;
	s8 =	sadd.s32 $0x1400, s5;
	s11 =	smul.u32 $0xA00, s1  }
0x9: {  	s4 =	sadd.s32 $0xB200, s5;
	s30 =	sshll.u32 s1, $0x6;
	s31 =	smul.u32 $0x9C4, s1  }
0xa: {  	_ =	strace $0x80000047;
	s9 =	sshll.u32 s7, $0x7;
	s10 =	ssub.s32 $0x2, s7  }
0xb: {  	p0 =	seq.s32 s7, $0x1;
	s9 =	sor.u32 s9, s28;
	s12 =	sshrl.u32 s10, $0x1  }
0xc: {  	s29 =	sshrl.u32 s11, $0x2;
	s8 =	smov.u32 @p0 s6;
	s11 =	simm.s32 $0x80  }
0xd: {  	s9 =	sshrl.u32 s9, $0x3;
	s10 =	ssub.s32 s10, s12;
	s13 =	sadd.s32 s29, s2  }
0xe: {  	s8 =	sadd.s32 s8, s31;
	s12 =	simm.s32 $0x4E80;
	s9 =	sadd.s32 s9, s5  }
0xf: {  	s5 =	sor.u32 $0x1C02, s30;
	s7 =	smax.u32 s10, $0x1;
	s10 =	simm.s32 $0x2  }
0x10: {  	v0 =	vimm.f32 $1.000000000e+00;
	s6 =	sadd.s32 $0xB400, s9;
	s9 =	sshrl.u32 s13, $0x3;
	s13 =	simm.s32 $0x20  }
.LBB2_1:
0x11: {  	[spmem:s9], [sflag:s5] =	dma.local [hbm:s4], $0x50  }
0x12: {  	_ =	swait.ge [sflag:s10], $0x50  }
0x13: {  	[sflag:s10] =	ssyncset.done $0x0  }
0x14: {  	[sflag:s10] =	ssyncadd.s32 $0xFFFFFFB0  }
0x15: {  	[tilespmem:$0x4E80] =	vst v0  }
0x16: {  	[tilespmem:$0x4E90] =	vst v0  }
0x17: {  	[tilespmem:$0x4EA0] =	vst v0  }
0x18: {  	[tilespmem:$0x4EB0] =	vst v0  }
0x19: {  	[tilespmem:$0x4EC0] =	vst v0  }
0x1a: {  	[tilespmem:$0x4ED0] =	vst v0  }
0x1b: {  	[tilespmem:$0x4EE0] =	vst v0  }
0x1c: {  	[tilespmem:$0x4EF0] =	vst v0  }
0x1d: {  	[tilespmem:s3], [sflag:$0x2] =	stream.linear.gather [hbm4b:s8+s3], $0x4E20, $0x38;
	[tilespmem:$0x5180] =	vst v63  }
0x1e: {  	_ =	swait.ge [sflag:s10], $0x4E20  }
0x1f: {  	[sflag:s10] =	ssyncset.done $0x0  }
0x20: {  	[sflag:s10] =	ssyncadd.s32 $0xFFFFB1E0  }
0x21: {  	s18 =	simm.s32 $0x200;
	s19 =	simm.s32 $0x0;
	[bflag:$0x0] =	sbarrier.arrive $0xFFFF  }
.LBB2_2:
0x22: {  	[spmem:s2] =	stream.indirect.scatter.add.f32 [tilespmem:s12], [sflag:$0x1], $0x1, s19, s11, $0xb8;
	[tilespmem:$0x5180] =	vst v63  }
0x23: {  	s19 =	smov.u32 s18;
	p0 =	sne.s32 s18, $0x13600  }
.Ltmp0:
0x24: {  	s18 =	sadd.s32 $0x200, s18;
	(pc) =	sbr.rel @p0 .LBB2_2-.Ltmp0, $2  }
0x25: {  	_ =	sdelay $0x2  }
0x26: {  	s19 =	sshra.s32 s19, $0x2  }
0x27: {  	[spmem:s2] =	stream.indirect.scatter.add.f32 [tilespmem:s12], [sflag:$0x1], $0x1, s19, s11, $0xb8;
	[tilespmem:$0x5180] =	vst v63  }
0x28: {  	_ = 	snop  }
0x29: {  	[spmem:s2] =	stream.indirect.scatter.add.f32 [tilespmem:s12], [sflag:$0x1], $0x1, s14, s13, $0xb8;
	[tilespmem:$0x5180] =	vst v63  }
0x2a: {  	_ =	swait.ge [sflag:s15], $0x80  }
0x2b: {  	s18 =	simm.s32 $0x9B;
	[sflag:s15] =	ssyncset.done $0x0  }
.LBB2_4:
0x2c: {  	p0 =	sne.s32 s18, $0x1;
	s18 =	sadd.s32 $0xFFFFFFFF, s18;
	[sflag:s15] =	ssyncadd.s32 $0xFFFFFF80  }
.Ltmp1:
0x2d: {  	(pc) =	sbr.rel @p0 .LBB2_4-.Ltmp1, $3  }
0x2e: {  	_ =	sdelay $0x1  }
0x2f: {  	_ =	swait.ge [sflag:s15], $0x80  }
0x30: {  	[sflag:s15] =	ssyncset.done $0x0  }
0x31: {  	[sflag:s15] =	ssyncadd.s32 $0xFFFFFF80  }
0x32: {  	_ =	swait.ge [sflag:s15], $0x20  }
0x33: {  	s17 =	sadd.s32 $0x1, s17;
	[sflag:s15] =	ssyncset.done $0x0  }
0x34: {  	p0 =	sne.s32 s17, s7;
	[sflag:s15] =	ssyncadd.s32 $0xFFFFFFE0  }
.Ltmp2:
0x35: {  	[bflag:$0x0] =	sbarrier.arrive $0xFFFF;
	(pc) =	sbr.rel @p0 .LBB2_1-.Ltmp2, $4  }
0x36: {  	[hbm:s6@s13], [sflag:s5] =	dma.strided [spmem:s9@s16], $0x50, s15, $0x10   }
0x37: {  	_ =	swait.ge [sflag:s10], $0x50  }
0x38: {  	[sflag:s10] =	ssyncset.done $0x0  }
0x39: {  	[sflag:s10] =	ssyncadd.s32 $0xFFFFFFB0  }
0x3a: {  	_ =	sfence.sel $0x180000  }
0x3b: {  	[bflag:$0x0] =	sbarrier.arrive $0xFFFF  }
0x3c: {  	p0 =	sne.s32 s1, $0x0;
	_ =	strace $0x90000047  }
0x3d: {  	s0 =	sadd.s32 @!p0 $0x100000, s0;
	[bflag:$0x2] =	sbarrier.arrive $0xFFFF  }
0x3e: {  	[sflag:s0] =	ssyncadd.tile.s32 @!p0 $0x1;
	_ =	shalt  }
.Lfunc_end2:
_tile_overlayer_lowered:
.L_overlay_start_2:
0x3f: {  	(tag) =	ssettag $0x2  }
0x40: {  	s0 =	rddreg [dreg:$0x0];
	s2 =	stileid.u32  }
0x41: {  	s1 =	rddreg [dreg:$0x1];
	p0 =	sne.s32 s2, $0x0  }
0x42: {  	s3 =	rddreg [dreg:$0x2];
	[bflag:$0x3] =	sbarrier.arrive $0xFFFF;
	s2 =	simm.s32 @!p0 $0x1C02  }
0x43: {  	[timem:s3], [sflag:s2] =	dma.local @!p0 [hbm:s0], s1  }
0x44: {  	s0 =	simm.s32 @!p0 $0x2  }
0x45: {  	_ =	swait.ge @!p0 [sflag:s0], s1  }
0x46: {  	s1 =	ssub.s32 @!p0 $0x0, s1;
	[sflag:s0] =	ssyncset.done @!p0 $0x0  }
0x47: {  	[sflag:s0] =	ssyncadd.s32 @!p0 s1  }
0x48: {  	[bflag:$0x3] =	sbarrier.arrive $0xFFFF  }
0x49: {  	_ =	shalt  }

// kernel: kernel.9.cloned.1.call-start
scs
__scs_entry_jumppad:
0x0: {  	(pc) =	sbr.rel $0x88, $3  }
0x1: {  	(tag) =	ssettag $0x0;
	lr =	simm.s32 $0x1  }
0x2: {  	[smem:$0x3F9B] =	sst lr;
	_ =	strace $0xD0000000  }
0x3: {  	_ = 	snop  }
0x4: {  	_ = 	snop  }
0x5: {  	_ = 	snop  }
0x6: {  	_ = 	snop  }
0x7: {  	_ = 	snop  }
__scs_overlays_trampoline_lowered:
0x8: {  	[smem:$0x3FAA] =	sst s0  }
0x9: {  	[smem:$0x3FAB] =	sst s1  }
0xa: {  	[smem:$0x3FAC] =	sst s2  }
0xb: {  	[smem:$0x3FAD] =	sst s3  }
0xc: {  	[smem:$0x3FAE] =	sst s4  }
0xd: {  	[smem:$0x3FAF] =	sst s5  }
0xe: {  	[smem:$0x3FB0] =	sst s6  }
0xf: {  	[smem:$0x3FB1] =	sst s7  }
0x10: {  	[smem:$0x3FB2] =	sst s8  }
0x11: {  	[smem:$0x3FB3] =	sst s9;
	s0 =	simm.s32 @!p0 $0x0  }
0x12: {  	s1 =	sld [smem:$0x3F99];
	s0 =	simm.s32 @p0 $0x1  }
0x13: {  	[smem:$0x3FB4] =	sst s0;
	s0 =	simm.s32 @!p1 $0x0  }
0x14: {  	s2 =	sld [smem:$0x3F98];
	s0 =	simm.s32 @p1 $0x1  }
0x15: {  	[smem:$0x3FB5] =	sst s0;
	s0 =	simm.s32 @!p2 $0x0  }
0x16: {  	s3 =	sld [smem:$0x3FDB];
	s0 =	simm.s32 @p2 $0x1  }
0x17: {  	s4 =	simm.s32 $0x1BF5;
	[smem:$0x3FB7] =	sst s0  }
0x18: {  	s0 =	sld [smem:$0x3F9A];
	_ =	swait.ge [sflag:s4], $0x0  }
0x19: {  	s7 =	sld [smem:$0x3F9B]  }
0x1a: {  	s8 =	sadd.s32 $0xFFFFE003, lr  }
0x1b: {  	s9 =	sadd.s32 $0xFFFFFEF7, lr;
	s5 =	simm.s32 $0xFFFFFFFF;
	p2 =	slt.u32 s8, $0xFFFFF086  }
0x1c: {  	p1 =	slt.u32 s9, $0xF7A;
	s5 =	simm.s32 @!p2 $0x0  }
0x1d: {  	s5 =	simm.s32 @p1 $0x1;
	p0 =	seq.s32 s7, s2  }
0x1e: {  	s7 =	smul.u32 @!p0 $0xF7A, s2;
	p2 =	seq.s32 @!p0 s5, $0x0  }
0x1f: {  	s9 =	smul.u32 $0xF7A, s1;
	s8 =	simm.s32 @!p0 $0x1BF5;
	p2 =	por !p2, p0  }
0x20: {  	[sflag:s8] =	ssyncset.s32 @!p0 $0xFFFFF086;
	s6 =	sadd.s32 @!p0 s3, s7;
	s7 =	simm.s32 @!p0 $0x108  }
0x21: {  	s3 =	sadd.s32 s3, s9;
	s6 =	sadd.s32 @!p0 $0x88, s6;
	s7 =	simm.s32 @p2 $0x1082  }
0x22: {  	[simem:s7], [sflag:s8] =	dma.local @!p0 [hbm:s6], $0xF7A  }
0x23: {  	s9 =	sor.u32 $0xD0000000, s2;
	s6 =	simm.s32 $0x108;
	_ =	swait.ge @!p0 [sflag:s8], $0x0  }
0x24: {  	s3 =	sadd.s32 $0x88, s3;
	s6 =	simm.s32 @!p1 $0x1082;
	[sflag:s4] =	ssyncset.s32 $0xFFFFF086  }
0x25: {  	[simem:s6], [sflag:s4] =	dma.local [hbm:s3], $0xF7A  }
0x26: {  	[smem:$0x3F9B] =	sst s1;
	(tag) =	ssettag s2;
	_ =	strace s9  }
0x27: {  	s1 =	sld [smem:$0x3FAB]  }
0x28: {  	s2 =	sld [smem:$0x3FAC]  }
0x29: {  	s4 =	sld [smem:$0x3FAE]  }
0x2a: {  	p0 =	seq.s32 s5, $0x0;
	s5 =	sld [smem:$0x3FAF]  }
0x2b: {  	s6 =	sld [smem:$0x3FB0]  }
0x2c: {  	s7 =	sld [smem:$0x3FB1]  }
0x2d: {  	s3 =	simm.s32 $0x108;
	s8 =	sld [smem:$0x3FB2]  }
0x2e: {  	s3 =	simm.s32 @!p0 $0x1082;
	s9 =	sld [smem:$0x3FB3]  }
0x2f: {  	lr =	sadd.s32 s0, s3;
	s0 =	sld [smem:$0x3FAA]  }
0x30: {  	s3 =	sld [smem:$0x3FAD]  }
0x31: {  	[smem:$0x3FB6] =	sst s10  }
0x32: {  	s10 =	sld [smem:$0x3FB4];
	_ =	sdelay $0x3  }
0x33: {  	p0 =	seq.s32 s10, $0x1;
	s10 =	sld [smem:$0x3FB6];
	_ =	sdelay $0x3  }
0x34: {  	[smem:$0x3FB6] =	sst s10  }
0x35: {  	s10 =	sld [smem:$0x3FB5];
	_ =	sdelay $0x3  }
0x36: {  	p1 =	seq.s32 s10, $0x1;
	s10 =	sld [smem:$0x3FB6];
	_ =	sdelay $0x3  }
0x37: {  	[smem:$0x3FB6] =	sst s10  }
0x38: {  	s10 =	sld [smem:$0x3FB7]  }
0x39: {  	_ = 	snop;
	(pc) =	sbr.ind lr, $3  }
0x3a: {  	_ = 	snop  }
0x3b: {  	_ = 	snop  }
0x3c: {  	p2 =	seq.s32 s10, $0x1;
	s10 =	sld [smem:$0x3FB6]  }
0x3d: {  	_ =	shalt  }
0x3e: {  	_ =	shalt  }
0x3f: {  	_ =	shalt  }
0x40: {  	_ =	shalt  }
0x41: {  	_ =	shalt  }
0x42: {  	_ =	shalt  }
0x43: {  	_ =	shalt  }
0x44: {  	_ =	shalt  }
0x45: {  	_ =	shalt  }
0x46: {  	_ =	shalt  }
0x47: {  	_ =	shalt  }
0x48: {  	_ =	shalt  }
0x49: {  	_ =	shalt  }
0x4a: {  	_ =	shalt  }
0x4b: {  	_ =	shalt  }
0x4c: {  	_ =	shalt  }
0x4d: {  	_ =	shalt  }
0x4e: {  	_ =	shalt  }
0x4f: {  	_ =	shalt  }
0x50: {  	_ =	shalt  }
0x51: {  	_ =	shalt  }
0x52: {  	_ =	shalt  }
0x53: {  	_ =	shalt  }
0x54: {  	_ =	shalt  }
0x55: {  	_ =	shalt  }
0x56: {  	_ =	shalt  }
0x57: {  	_ =	shalt  }
0x58: {  	_ =	shalt  }
0x59: {  	_ =	shalt  }
0x5a: {  	_ =	shalt  }
0x5b: {  	_ =	shalt  }
0x5c: {  	_ =	shalt  }
0x5d: {  	_ =	shalt  }
0x5e: {  	_ =	shalt  }
0x5f: {  	_ =	shalt  }
0x60: {  	_ =	shalt  }
0x61: {  	_ =	shalt  }
0x62: {  	_ =	shalt  }
0x63: {  	_ =	shalt  }
0x64: {  	_ =	shalt  }
0x65: {  	_ =	shalt  }
0x66: {  	_ =	shalt  }
0x67: {  	_ =	shalt  }
0x68: {  	_ =	shalt  }
0x69: {  	_ =	shalt  }
0x6a: {  	_ =	shalt  }
0x6b: {  	_ =	shalt  }
0x6c: {  	_ =	shalt  }
0x6d: {  	_ =	shalt  }
0x6e: {  	_ =	shalt  }
0x6f: {  	_ =	shalt  }
0x70: {  	_ =	shalt  }
0x71: {  	_ =	shalt  }
0x72: {  	_ =	shalt  }
0x73: {  	_ =	shalt  }
0x74: {  	_ =	shalt  }
0x75: {  	_ =	shalt  }
0x76: {  	_ =	shalt  }
0x77: {  	_ =	shalt  }
0x78: {  	_ =	shalt  }
0x79: {  	_ =	shalt  }
0x7a: {  	_ =	shalt  }
0x7b: {  	_ =	shalt  }
0x7c: {  	_ =	shalt  }
0x7d: {  	_ =	shalt  }
0x7e: {  	_ =	shalt  }
0x7f: {  	_ =	shalt  }
0x80: {  	_ =	shalt  }
0x81: {  	_ =	shalt  }
0x82: {  	_ =	shalt  }
0x83: {  	_ =	shalt  }
0x84: {  	_ =	shalt  }
0x85: {  	_ =	shalt  }
0x86: {  	_ =	shalt  }
0x87: {  	_ =	shalt  }
.Lfunc_end0:
.L_simem_size_0:
called_computation.1_lowered:
.L_overlay_start_0:
0x88: {  	s2 =	sld [smem:$0x3FD9]  }
0x89: {  	s3 =	sld [smem:$0x3FFE];
	_ =	sdelay $0x1  }
0x8a: {  	s1 =	srdreg.scid  }
0x8b: {  	s0 =	sand.u32 $0x1, s1  }
0x8c: {  	s17 =	sshll.u32 s0, $0xA;
	s2 =	sadd.s32 s3, s2  }
0x8d: {  	s2 =	sadd.s32 s2, s17  }
0x8e: {  	[smem:$0x3FC2] =	sst s2  }
0x8f: {  	_ = 	snop  }
0x90: {  	s2 =	sld [smem:$0x3FD0];
	(tm) =	ssettm $0x1  }
0x91: {  	s18 =	sld [smem:$0x3FFB];
	_ =	sdelay $0x3  }
0x92: {  	_ =	strace s18  }
0x93: {  	s3 =	sld [smem:$0x3FFC];
	_ =	sdelay $0x3  }
0x94: {  	_ =	strace s3  }
0x95: {  	s3 =	sld [smem:$0x3FFD];
	_ =	sdelay $0x3  }
0x96: {  	_ =	strace s3  }
0x97: {  	_ =	strace $0x8FFFFFFF  }
0x98: {  	s19 =	sld [smem:$0x3FDB];
	_ =	sdelay $0x1  }
0x99: {  	s4 =	simm.s32 $_scs_section_size  }
0x9a: {  	s5 =	simm.s32 $_size__tile_overlayer_lowered;
	s6 =	simm.s32 $_tile_overlayer_lowered  }
0x9b: {  	s22 =	simm.s32 $0x1BFF;
	s21 =	sshll.u32 s6, $0x1;
	s3 =	sadd.s32 s4, s19  }
0x9c: {  	s7 =	simm.s32 $0x0;
	s20 =	sshll.u32 s5, $0x1;
	s5 =	sadd.s32 s21, s3  }
0x9d: {  	[timem:s7], [sflag:s22] =	dma.local [hbm:s5], s20  }
0x9e: {  	_ =	swait.ge [sflag:s22], s20  }
0x9f: {  	s4 =	ssub.s32 $0x0, s20;
	[sflag:s22] =	ssyncset.done $0x0  }
0xa0: {  	[sflag:s22] =	ssyncadd.s32 s4;
	_ =	sdelay $0x1  }
0xa1: {  	s23 =	simm.s32 $0x1B8B  }
0xa2: {  	_ =	swait.ge [sflag:s23], $0x1  }
0xa3: {  	[sflag:s23] =	ssyncset.done $0x0  }
0xa4: {  	s25 =	simm.s32 $0x1B8E;
	s24 =	sld [smem:$0x3FFE];
	[sflag:s23] =	ssyncadd.s32 $0xFFFFFFFF  }
0xa5: {  	s26 =	simm.s32 $execute0_lowered;
	[smem:$0x3FD2] =	sst s25  }
0xa6: {  	s5 =	sshll.u32 s26, $0x1;
	_ =	strace $0x80000049;
	[dreg:$0x1] =	wrdreg $0xFFFFFFFF  }
0xa7: {  	s28 =	simm.s32 $_size_execute0_lowered;
	s3 =	sadd.s32 s3, s5;
	[dreg:$0x0] =	wrdreg $0x0  }
0xa8: {  	s5 =	sshll.u32 s28, $0x1;
	[dreg:$0x2] =	wrdreg s3  }
0xa9: {  	[dreg:$0x3] =	wrdreg s5  }
0xaa: {  	[dreg:$0x4] =	wrdreg $0xC0  }
0xab: {  	_ =	task [dreg:s7], $0x5FFFF  }
0xac: {  	[dreg:$0x1] =	wrdreg $0xFFFFFFFF  }
0xad: {  	[dreg:$0x0] =	wrdreg $0x60  }
0xae: {  	[dreg:$0x2] =	wrdreg s24  }
0xaf: {  	[dreg:$0x3] =	wrdreg s2  }
0xb0: {  	[dreg:$0x4] =	wrdreg $0xA0000  }
0xb1: {  	[dreg:$0x5] =	wrdreg $0x9  }
0xb2: {  	_ =	task.clear_ibuf [dreg:s7], $0x6FFFF;
	_ =	strace $0x90000049  }
0xb3: {  	s29 =	simm.s32 $0x9;
	_ =	strace $0x8000004B  }
0xb4: {  	_ =	swait.ge [sflag:s29], $0x1  }
0xb5: {  	[sflag:s29] =	ssyncadd.s32 $0xFFFFFFFF  }
0xb6: {  	_ =	strace $0x9000004B  }
0xb7: {  	_ =	sfence  }
0xb8: {  	s30 =	sld [smem:$0x0];
	_ =	sdelay $0x2  }
0xb9: {  	s31 =	sshll.u32 s1, $0xD;
	s1 =	sshrl.u32 s1, $0x2  }
0xba: {  	s3 =	sand.u32 $0x4000, s31;
	s1 =	sadd.s32 s1, s30  }
0xbb: {  	s0 =	sor.u32 s3, s0;
	s1 =	sshll.u32 s1, $0x11  }
0xbc: {  	s0 =	sor.u32 s1, s0  }
0xbd: {  	s0 =	sadd.s32 $0x8F2B, s0  }
0xbe: {  	[sflag:s0] =	ssyncadd.remote.s32 $0x1  }
0xbf: {  	_ =	sfence.sel $0xFFFF  }
0xc0: {  	[dreg:$0x0] =	wrdreg $0xFFFFFFFF;
	(pc) =	sbr.abs _section_cstart, $3  }
0xc1: {  	[dreg:$0x1] =	wrdreg $0xFFFFFFFF  }
0xc2: {  	_ =	task.clear_ibuf [dreg:s7], $0x2FFFF;
	_ =	strace $0x9FFFFFFF  }
0xc3: {  	(tm) =	ssettm $0x7FFFFFFF  }
tec
execute0_lowered:
.L_overlay_start_1:
0x0: {  	(tag) =	ssettag $0x1  }
0x1: {  	s0 =	rddreg [dreg:$0x0]  }
0x2: {  	s2 =	rddreg [dreg:$0x1]  }
0x3: {  	s1 =	rddreg [dreg:$0x2]  }
0x4: {  	s3 =	srdreg.scid;
	s14 =	stileid.u32;
	s17 =	simm.s32 $0x1000  }
0x5: {  	s18 =	simm.s32 $0x5;
	s16 =	simm.s32 $0x1380;
	s28 =	simm.s32 $0x1600  }
0x6: {  	s30 =	simm.s32 $0x4;
	s29 =	simm.s32 $0x1800;
	s6 =	smul.u32 $0x14000, s14  }
0x7: {  	s4 =	sand.u32 $0x1, s3;
	s3 =	simm.s32 $0x0;
	s10 =	smul.u32 $0x4E20, s14  }
0x8: {  	s7 =	sadd.s32 $0xB200, s0;
	s8 =	sadd.s32 $0x1400, s0;
	s21 =	smul.u32 $0x50000, s14  }
0x9: {  	s11 =	sadd.s32 $0x5B200, s0;
	s24 =	smul.u32 $0x9C4, s14;
	s26 =	sshll.u32 s14, $0x6  }
0xa: {  	s14 =	simm.s32 $0x580;
	s5 =	smul.u32 $0x140000, s4;
	[smem:$0x7FF] =	sst s3  }
0xb: {  	s9 =	ssub.s32 $0x2, s4;
	p0 =	seq.s32 s4, $0x0;
	s4 =	smul.u32 $0x28000, s4  }
0xc: {  	_ =	strace $0x8000004A;
	[dreg:$0x4] =	wrdreg s11;
	s19 =	sshrl.u32 s9, $0x1  }
0xd: {  	s20 =	sshrl.u32 s10, $0x3;
	s10 =	sshrl.u32 s21, $0x2;
	s21 =	simm.s32 $0x2000  }
0xe: {  	s6 =	sadd.s32 s6, s5;
	s11 =	sadd.s32 s8, s20;
	s12 =	sadd.s32 $0x900, s20  }
0xf: {  	s15 =	sadd.s32 s2, s20;
	s22 =	sadd.s32 s10, s1;
	s23 =	sshrl.u32 s5, $0x3  }
0x10: {  	s20 =	simm.s32 $0x80;
	s6 =	sshrl.u32 s6, $0x3;
	s13 =	sadd.s32 s8, s12  }
0x11: {  	[dreg:$0x6] =	wrdreg s22;
	s10 =	sadd.s32 s2, s12;
	s5 =	smov.u32 s11  }
0x12: {  	s22 =	simm.s32 $0x6000;
	s0 =	sadd.s32 s6, s0;
	s6 =	ssub.s32 s9, s19  }
0x13: {  	s12 =	smov.u32 s13;
	s9 =	sadd.s32 s7, s4;
	s4 =	sadd.s32 s7, s23  }
0x14: {  	s5 =	smov.u32 @p0 s15;
	s15 =	smov.u32 @p0 s11;
	s19 =	simm.s32 $0x3  }
0x15: {  	s23 =	simm.s32 $0x1;
	s7 =	simm.s32 $0x1480;
	[dreg:$0xa] =	wrdreg s4  }
0x16: {  	s11 =	simm.s32 $0x1500;
	s12 =	smov.u32 @p0 s10;
	[dreg:$0x9] =	wrdreg s5  }
0x17: {  	s10 =	smov.u32 @p0 s13;
	s4 =	smov.u32 s8;
	[dreg:$0x5] =	wrdreg s15  }
0x18: {  	s0 =	sadd.s32 $0x5DA00, s0;
	s25 =	smax.u32 s6, $0x1;
	[dreg:$0x8] =	wrdreg s12  }
0x19: {  	s6 =	sor.u32 $0x1C05, s26;
	s13 =	simm.s32 $0x1300;
	[dreg:$0x7] =	wrdreg s10  }
0x1a: {  	s15 =	simm.s32 $0x400;
	s5 =	simm.s32 $0x500;
	[dreg:$0xb] =	wrdreg s0  }
0x1b: {  	s26 =	simm.s32 $0x1580;
	s4 =	smov.u32 @p0 s2;
	[dreg:$0xc] =	wrdreg s25  }
.Ltmp0:
0x1c: {  	s2 =	smov.u32 @p0 s8;
	s25 =	simm.s32 $0x2;
	(pc) =	sbr.rel .LBB2_1-.Ltmp0, $4  }
0x1d: {  	s8 =	simm.s32 $0x480;
	s10 =	simm.s32 $0x1400;
	s4 =	sadd.s32 s24, s4  }
0x1e: {  	[dreg:$0xd] =	wrdreg s6;
	s0 =	sadd.s32 s24, s2;
	s31 =	sadd.s32 $0x100, s4  }
0x1f: {  	s24 =	simm.s32 $0x600;
	s0 =	sadd.s32 $0x100, s0;
	[dreg:$0xe] =	wrdreg s31  }
0x20: {  	s4 =	simm.s32 $0x0;
	[dreg:$0xf] =	wrdreg s0;
	s0 =	simm.s32 $0x800  }
.LBB2_8:
0x21: {  	s2 =	rddreg [dreg:$0x8]  }
0x22: {  	[tilespmem:s3], [sflag:$0x3] =	stream.linear.gather [hbm4b:s2+s3], $0x620, $0x38;
	[tilespmem:$0x1E000] =	vst v63  }
0x23: {  	s12 =	rddreg [dreg:$0x7]  }
0x24: {  	[tilespmem:s17], [sflag:$0x3] =	stream.linear.gather [hbm4b:s12+s3], $0x620, $0x38;
	[tilespmem:$0x1E000] =	vst v63  }
0x25: {  	_ =	swait.ge [sflag:s19], $0x620  }
0x26: {  	[sflag:s19] =	ssyncset.done $0x0  }
0x27: {  	[sflag:s19] =	ssyncadd.s32 $0xFFFFF9E0  }
0x28: {  	_ =	swait.ge [sflag:s19], $0x620  }
0x29: {  	[sflag:s19] =	ssyncset.done $0x0  }
0x2a: {  	s2 =	rddreg [dreg:$0xa];
	[sflag:s19] =	ssyncadd.s32 $0xFFFFF9E0  }
0x2b: {  	[tilespmem:s21], [sflag:$0x1] =	stream.indirect.gather [hbm4b:s2+s20], $0x80, s3, s20, $0xb8;
	[tilespmem:$0x1E000] =	vst v63  }
0x2c: {  	_ = 	snop  }
0x2d: {  	[tilespmem:s22], [sflag:$0x2] =	stream.indirect.gather [hbm4b:s2+s20], $0x80, s20, s20, $0xb8;
	[tilespmem:$0x1E000] =	vst v63  }
0x2e: {  	_ =	swait.ge [sflag:s23], $0x4000  }
0x2f: {  	[sflag:s23] =	ssyncset.done $0x0  }
0x30: {  	[sflag:s23] =	ssyncadd.s32 $0xFFFFC000  }
0x31: {  	[spmem:s1] =	stream.indirect.scatter.add.f32 [tilespmem:s21], [sflag:$0x5], $0x80, s17, s20, $0xb8;
	[tilespmem:$0x1E000] =	vst v63  }
0x32: {  	_ =	swait.ge [sflag:s18], $0x4000  }
0x33: {  	[sflag:s18] =	ssyncset.done $0x0  }
0x34: {  	s4 =	simm.s32 $0x100;
	[sflag:s18] =	ssyncadd.s32 $0xFFFFC000  }
0x35: {  	[tilespmem:s21], [sflag:$0x1] =	stream.indirect.gather [hbm4b:s2+s20], $0x80, s4, s20, $0xb8;
	[tilespmem:$0x1E000] =	vst v63  }
0x36: {  	_ =	swait.ge [sflag:s25], $0x4000  }
0x37: {  	[sflag:s25] =	ssyncset.done $0x0  }
0x38: {  	s31 =	simm.s32 $0x1080;
	[sflag:s25] =	ssyncadd.s32 $0xFFFFC000  }
0x39: {  	[spmem:s1] =	stream.indirect.scatter.add.f32 [tilespmem:s22], [sflag:$0x5], $0x80, s31, s20, $0xb8;
	[tilespmem:$0x1E000] =	vst v63  }
0x3a: {  	_ =	swait.ge [sflag:s18], $0x4000  }
0x3b: {  	[sflag:s18] =	ssyncset.done $0x0  }
0x3c: {  	s6 =	simm.s32 $0x180;
	[sflag:s18] =	ssyncadd.s32 $0xFFFFC000  }
0x3d: {  	[tilespmem:s22], [sflag:$0x2] =	stream.indirect.gather [hbm4b:s2+s20], $0x80, s6, s20, $0xb8;
	[tilespmem:$0x1E000] =	vst v63  }
0x3e: {  	_ =	swait.ge [sflag:s23], $0x4000  }
0x3f: {  	[sflag:s23] =	ssyncset.done $0x0  }
0x40: {  	s12 =	simm.s32 $0x1100;
	[sflag:s23] =	ssyncadd.s32 $0xFFFFC000  }
0x41: {  	[spmem:s1] =	stream.indirect.scatter.add.f32 [tilespmem:s21], [sflag:$0x5], $0x80, s12, s20, $0xb8;
	[tilespmem:$0x1E000] =	vst v63  }
0x42: {  	_ =	swait.ge [sflag:s18], $0x4000  }
0x43: {  	[sflag:s18] =	ssyncset.done $0x0  }
0x44: {  	s31 =	simm.s32 $0x200;
	[sflag:s18] =	ssyncadd.s32 $0xFFFFC000  }
0x45: {  	[tilespmem:s21], [sflag:$0x1] =	stream.indirect.gather [hbm4b:s2+s20], $0x80, s31, s20, $0xb8;
	[tilespmem:$0x1E000] =	vst v63  }
0x46: {  	_ =	swait.ge [sflag:s25], $0x4000  }
0x47: {  	[sflag:s25] =	ssyncset.done $0x0  }
0x48: {  	s6 =	simm.s32 $0x1180;
	[sflag:s25] =	ssyncadd.s32 $0xFFFFC000  }
0x49: {  	[spmem:s1] =	stream.indirect.scatter.add.f32 [tilespmem:s22], [sflag:$0x5], $0x80, s6, s20, $0xb8;
	[tilespmem:$0x1E000] =	vst v63  }
0x4a: {  	_ =	swait.ge [sflag:s18], $0x4000  }
0x4b: {  	[sflag:s18] =	ssyncset.done $0x0  }
0x4c: {  	s12 =	simm.s32 $0x280;
	[sflag:s18] =	ssyncadd.s32 $0xFFFFC000  }
0x4d: {  	[tilespmem:s22], [sflag:$0x2] =	stream.indirect.gather [hbm4b:s2+s20], $0x80, s12, s20, $0xb8;
	[tilespmem:$0x1E000] =	vst v63  }
0x4e: {  	_ =	swait.ge [sflag:s23], $0x4000  }
0x4f: {  	[sflag:s23] =	ssyncset.done $0x0  }
0x50: {  	s31 =	simm.s32 $0x1200;
	[sflag:s23] =	ssyncadd.s32 $0xFFFFC000  }
0x51: {  	[spmem:s1] =	stream.indirect.scatter.add.f32 [tilespmem:s21], [sflag:$0x5], $0x80, s31, s20, $0xb8;
	[tilespmem:$0x1E000] =	vst v63  }
0x52: {  	_ =	swait.ge [sflag:s18], $0x4000  }
0x53: {  	[sflag:s18] =	ssyncset.done $0x0  }
0x54: {  	s6 =	simm.s32 $0x300;
	[sflag:s18] =	ssyncadd.s32 $0xFFFFC000  }
0x55: {  	[tilespmem:s21], [sflag:$0x1] =	stream.indirect.gather [hbm4b:s2+s20], $0x80, s6, s20, $0xb8;
	[tilespmem:$0x1E000] =	vst v63  }
0x56: {  	_ =	swait.ge [sflag:s25], $0x4000  }
0x57: {  	[sflag:s25] =	ssyncset.done $0x0  }
0x58: {  	s12 =	simm.s32 $0x1280;
	[sflag:s25] =	ssyncadd.s32 $0xFFFFC000  }
0x59: {  	[spmem:s1] =	stream.indirect.scatter.add.f32 [tilespmem:s22], [sflag:$0x5], $0x80, s12, s20, $0xb8;
	[tilespmem:$0x1E000] =	vst v63  }
0x5a: {  	_ =	swait.ge [sflag:s18], $0x4000  }
0x5b: {  	[sflag:s18] =	ssyncset.done $0x0  }
0x5c: {  	s31 =	simm.s32 $0x380;
	[sflag:s18] =	ssyncadd.s32 $0xFFFFC000  }
0x5d: {  	[tilespmem:s22], [sflag:$0x2] =	stream.indirect.gather [hbm4b:s2+s20], $0x80, s31, s20, $0xb8;
	[tilespmem:$0x1E000] =	vst v63  }
0x5e: {  	_ =	swait.ge [sflag:s23], $0x4000  }
0x5f: {  	[sflag:s23] =	ssyncset.done $0x0  }
0x60: {  	[sflag:s23] =	ssyncadd.s32 $0xFFFFC000  }
0x61: {  	[spmem:s1] =	stream.indirect.scatter.add.f32 [tilespmem:s21], [sflag:$0x5], $0x80, s13, s20, $0xb8;
	[tilespmem:$0x1E000] =	vst v63  }
0x62: {  	_ =	swait.ge [sflag:s18], $0x4000  }
0x63: {  	[sflag:s18] =	ssyncset.done $0x0  }
0x64: {  	[sflag:s18] =	ssyncadd.s32 $0xFFFFC000  }
0x65: {  	[tilespmem:s21], [sflag:$0x1] =	stream.indirect.gather [hbm4b:s2+s20], $0x80, s15, s20, $0xb8;
	[tilespmem:$0x1E000] =	vst v63  }
0x66: {  	_ =	swait.ge [sflag:s25], $0x4000  }
0x67: {  	[sflag:s25] =	ssyncset.done $0x0  }
0x68: {  	[sflag:s25] =	ssyncadd.s32 $0xFFFFC000  }
0x69: {  	[spmem:s1] =	stream.indirect.scatter.add.f32 [tilespmem:s22], [sflag:$0x5], $0x80, s16, s20, $0xb8;
	[tilespmem:$0x1E000] =	vst v63  }
0x6a: {  	_ =	swait.ge [sflag:s18], $0x4000  }
0x6b: {  	[sflag:s18] =	ssyncset.done $0x0  }
0x6c: {  	[sflag:s18] =	ssyncadd.s32 $0xFFFFC000  }
0x6d: {  	[tilespmem:s22], [sflag:$0x2] =	stream.indirect.gather [hbm4b:s2+s20], $0x80, s8, s20, $0xb8;
	[tilespmem:$0x1E000] =	vst v63  }
0x6e: {  	_ =	swait.ge [sflag:s23], $0x4000  }
0x6f: {  	[sflag:s23] =	ssyncset.done $0x0  }
0x70: {  	[sflag:s23] =	ssyncadd.s32 $0xFFFFC000  }
0x71: {  	[spmem:s1] =	stream.indirect.scatter.add.f32 [tilespmem:s21], [sflag:$0x5], $0x80, s10, s20, $0xb8;
	[tilespmem:$0x1E000] =	vst v63  }
0x72: {  	_ =	swait.ge [sflag:s18], $0x4000  }
0x73: {  	[sflag:s18] =	ssyncset.done $0x0  }
0x74: {  	[sflag:s18] =	ssyncadd.s32 $0xFFFFC000  }
0x75: {  	[tilespmem:s21], [sflag:$0x1] =	stream.indirect.gather [hbm4b:s2+s20], $0x80, s5, s20, $0xb8;
	[tilespmem:$0x1E000] =	vst v63  }
0x76: {  	_ =	swait.ge [sflag:s25], $0x4000  }
0x77: {  	[sflag:s25] =	ssyncset.done $0x0  }
0x78: {  	[sflag:s25] =	ssyncadd.s32 $0xFFFFC000  }
0x79: {  	[spmem:s1] =	stream.indirect.scatter.add.f32 [tilespmem:s22], [sflag:$0x5], $0x80, s7, s20, $0xb8;
	[tilespmem:$0x1E000] =	vst v63  }
0x7a: {  	_ =	swait.ge [sflag:s18], $0x4000  }
0x7b: {  	[sflag:s18] =	ssyncset.done $0x0  }
0x7c: {  	[sflag:s18] =	ssyncadd.s32 $0xFFFFC000  }
0x7d: {  	[tilespmem:s22], [sflag:$0x2] =	stream.indirect.gather [hbm4b:s2+s20], $0x80, s14, s20, $0xb8;
	[tilespmem:$0x1E000] =	vst v63  }
0x7e: {  	_ =	swait.ge [sflag:s23], $0x4000  }
0x7f: {  	[sflag:s23] =	ssyncset.done $0x0  }
0x80: {  	[sflag:s23] =	ssyncadd.s32 $0xFFFFC000  }
0x81: {  	[spmem:s1] =	stream.indirect.scatter.add.f32 [tilespmem:s21], [sflag:$0x5], $0x80, s11, s20, $0xb8;
	[tilespmem:$0x1E000] =	vst v63  }
0x82: {  	_ =	swait.ge [sflag:s18], $0x4000  }
0x83: {  	[sflag:s18] =	ssyncset.done $0x0  }
0x84: {  	[sflag:s18] =	ssyncadd.s32 $0xFFFFC000  }
0x85: {  	_ =	swait.ge [sflag:s25], $0x4000  }
0x86: {  	[sflag:s25] =	ssyncset.done $0x0  }
0x87: {  	[sflag:s25] =	ssyncadd.s32 $0xFFFFC000  }
0x88: {  	[spmem:s1] =	stream.indirect.scatter.add.f32 [tilespmem:s22], [sflag:$0x5], $0x80, s26, s20, $0xb8;
	[tilespmem:$0x1E000] =	vst v63  }
0x89: {  	_ =	swait.ge [sflag:s18], $0x4000  }
0x8a: {  	[sflag:s18] =	ssyncset.done $0x0  }
0x8b: {  	s6 =	simm.s32 $0x20;
	[sflag:s18] =	ssyncadd.s32 $0xFFFFC000  }
0x8c: {  	[tilespmem:s21], [sflag:$0x1] =	stream.indirect.gather [hbm4b:s2+s6], $0x80, s24, s6, $0xb8;
	[tilespmem:$0x1E000] =	vst v63  }
0x8d: {  	_ =	swait.ge [sflag:s23], $0x1000  }
0x8e: {  	[sflag:s23] =	ssyncset.done $0x0  }
0x8f: {  	[sflag:s23] =	ssyncadd.s32 $0xFFFFF000  }
0x90: {  	[spmem:s1] =	stream.indirect.scatter.add.f32 [tilespmem:s21], [sflag:$0x5], $0x80, s28, s6, $0xb8;
	[tilespmem:$0x1E000] =	vst v63  }
0x91: {  	_ =	swait.ge [sflag:s18], $0x1000  }
0x92: {  	[sflag:s18] =	ssyncset.done $0x0  }
0x93: {  	[sflag:s18] =	ssyncadd.s32 $0xFFFFF000  }
0x94: {  	[bflag:$0x0] =	sbarrier.arrive $0xFFFF  }
0x95: {  	s12 =	rddreg [dreg:$0xb]  }
0x96: {  	s6 =	rddreg [dreg:$0xd]  }
0x97: {  	s31 =	rddreg [dreg:$0x11]  }
0x98: {  	[hbm:s12], [sflag:s6] =	dma.local [spmem:s31], $0x2800  }
0x99: {  	_ =	swait.ge [sflag:s18], $0x2800  }
0x9a: {  	s12 =	rddreg [dreg:$0x10]  }
0x9b: {  	s31 =	rddreg [dreg:$0xc];
	s4 =	sadd.s32 $0x1, s12  }
0x9c: {  	p0 =	sne.s32 s4, s31  }
.Ltmp1:
0x9d: {  	_ = 	snop;
	(pc) =	sbr.rel @!p0 .LBB2_9-.Ltmp1, $3  }
0x9e: {  	_ =	sdelay $0x1  }
0x9f: {  	[sflag:s18] =	ssyncset.done $0x0  }
0xa0: {  	[sflag:s18] =	ssyncadd.s32 $0xFFFFD800  }
.LBB2_1:
0xa1: {  	[dreg:$0x10] =	wrdreg s4  }
0xa2: {  	s2 =	rddreg [dreg:$0x9]  }
0xa3: {  	s4 =	rddreg [dreg:$0x5]  }
0xa4: {  	s12 =	rddreg [dreg:$0x6]  }
0xa5: {  	[tilespmem:s3], [sflag:$0x3] =	stream.linear.gather [hbm4b:s2+s3], $0x800, $0x38;
	[tilespmem:$0x1E000] =	vst v63  }
0xa6: {  	s2 =	sshrl.u32 s12, $0x3;
	s12 =	rddreg [dreg:$0x4]  }
0xa7: {  	[dreg:$0x11] =	wrdreg s2  }
0xa8: {  	[tilespmem:s17], [sflag:$0x3] =	stream.linear.gather [hbm4b:s4+s3], $0x800, $0x38;
	[tilespmem:$0x1E000] =	vst v63  }
0xa9: {  	[spmem:s2], [sflag:s6] =	dma.local [hbm:s12], $0x2800  }
0xaa: {  	_ =	swait.ge [sflag:s18], $0x2800  }
.Ltmp2:
0xab: {  	[sflag:s18] =	ssyncset.done $0x0;
	(pc) =	sbr.rel .LBB2_2-.Ltmp2, $4  }
0xac: {  	[sflag:s18] =	ssyncadd.s32 $0xFFFFD800  }
0xad: {  	[bflag:$0x0] =	sbarrier.arrive $0xFFFF  }
0xae: {  	s2 =	rddreg [dreg:$0xf]  }
0xaf: {  	s4 =	simm.s32 $0x0;
	s31 =	rddreg [dreg:$0xe]  }
.LBB2_10:
0xb0: {  	[tilespmem:s3], [sflag:$0x3] =	stream.linear.gather [hbm4b:s31+s3], $0x800, $0x38;
	[tilespmem:$0x1E000] =	vst v63  }
0xb1: {  	_ = 	snop  }
0xb2: {  	[tilespmem:s17], [sflag:$0x3] =	stream.linear.gather [hbm4b:s2+s3], $0x800, $0x38;
	[tilespmem:$0x1E000] =	vst v63  }
.LBB2_6:
0xb3: {  	_ =	swait.ge [sflag:s30], $0x800  }
0xb4: {  	[sflag:s30] =	ssyncset.done $0x0  }
0xb5: {  	[sflag:s30] =	ssyncadd.s32 $0xFFFFF800  }
0xb6: {  	_ =	swait.ge [sflag:s30], $0x800  }
0xb7: {  	[sflag:s30] =	ssyncset.done $0x0  }
0xb8: {  	[sflag:s30] =	ssyncadd.s32 $0xFFFFF800  }
0xb9: {  	[tilespmem:s21], [sflag:$0x1] =	stream.indirect.gather [hbm4b:s9+s20], $0x80, s0, s20, $0xb8;
	[tilespmem:$0x1E000] =	vst v63  }
0xba: {  	s6 =	simm.s32 $0x880  }
0xbb: {  	[tilespmem:s22], [sflag:$0x2] =	stream.indirect.gather [hbm4b:s9+s20], $0x80, s6, s20, $0xb8;
	[tilespmem:$0x1E000] =	vst v63  }
0xbc: {  	_ =	swait.ge [sflag:s23], $0x4000  }
0xbd: {  	[sflag:s23] =	ssyncset.done $0x0  }
0xbe: {  	[sflag:s23] =	ssyncadd.s32 $0xFFFFC000  }
0xbf: {  	[spmem:s1] =	stream.indirect.scatter.add.f32 [tilespmem:s21], [sflag:$0x5], $0x80, s29, s20, $0xb8;
	[tilespmem:$0x1E000] =	vst v63  }
0xc0: {  	_ =	swait.ge [sflag:s18], $0x4000  }
0xc1: {  	[sflag:s18] =	ssyncset.done $0x0  }
0xc2: {  	s12 =	simm.s32 $0x900;
	[sflag:s18] =	ssyncadd.s32 $0xFFFFC000  }
0xc3: {  	[tilespmem:s21], [sflag:$0x1] =	stream.indirect.gather [hbm4b:s9+s20], $0x80, s12, s20, $0xb8;
	[tilespmem:$0x1E000] =	vst v63  }
0xc4: {  	_ =	swait.ge [sflag:s25], $0x4000  }
0xc5: {  	[sflag:s25] =	ssyncset.done $0x0  }
0xc6: {  	s12 =	simm.s32 $0x1880;
	[sflag:s25] =	ssyncadd.s32 $0xFFFFC000  }
0xc7: {  	[spmem:s1] =	stream.indirect.scatter.add.f32 [tilespmem:s22], [sflag:$0x5], $0x80, s12, s20, $0xb8;
	[tilespmem:$0x1E000] =	vst v63  }
0xc8: {  	_ =	swait.ge [sflag:s18], $0x4000  }
0xc9: {  	[sflag:s18] =	ssyncset.done $0x0  }
0xca: {  	s12 =	simm.s32 $0x980;
	[sflag:s18] =	ssyncadd.s32 $0xFFFFC000  }
0xcb: {  	[tilespmem:s22], [sflag:$0x2] =	stream.indirect.gather [hbm4b:s9+s20], $0x80, s12, s20, $0xb8;
	[tilespmem:$0x1E000] =	vst v63  }
0xcc: {  	_ =	swait.ge [sflag:s23], $0x4000  }
0xcd: {  	[sflag:s23] =	ssyncset.done $0x0  }
0xce: {  	s12 =	simm.s32 $0x1900;
	[sflag:s23] =	ssyncadd.s32 $0xFFFFC000  }
0xcf: {  	[spmem:s1] =	stream.indirect.scatter.add.f32 [tilespmem:s21], [sflag:$0x5], $0x80, s12, s20, $0xb8;
	[tilespmem:$0x1E000] =	vst v63  }
0xd0: {  	_ =	swait.ge [sflag:s18], $0x4000  }
0xd1: {  	[sflag:s18] =	ssyncset.done $0x0  }
0xd2: {  	s12 =	simm.s32 $0xA00;
	[sflag:s18] =	ssyncadd.s32 $0xFFFFC000  }
0xd3: {  	[tilespmem:s21], [sflag:$0x1] =	stream.indirect.gather [hbm4b:s9+s20], $0x80, s12, s20, $0xb8;
	[tilespmem:$0x1E000] =	vst v63  }
0xd4: {  	_ =	swait.ge [sflag:s25], $0x4000  }
0xd5: {  	[sflag:s25] =	ssyncset.done $0x0  }
0xd6: {  	s12 =	simm.s32 $0x1980;
	[sflag:s25] =	ssyncadd.s32 $0xFFFFC000  }
0xd7: {  	[spmem:s1] =	stream.indirect.scatter.add.f32 [tilespmem:s22], [sflag:$0x5], $0x80, s12, s20, $0xb8;
	[tilespmem:$0x1E000] =	vst v63  }
0xd8: {  	_ =	swait.ge [sflag:s18], $0x4000  }
0xd9: {  	[sflag:s18] =	ssyncset.done $0x0  }
0xda: {  	s12 =	simm.s32 $0xA80;
	[sflag:s18] =	ssyncadd.s32 $0xFFFFC000  }
0xdb: {  	[tilespmem:s22], [sflag:$0x2] =	stream.indirect.gather [hbm4b:s9+s20], $0x80, s12, s20, $0xb8;
	[tilespmem:$0x1E000] =	vst v63  }
0xdc: {  	_ =	swait.ge [sflag:s23], $0x4000  }
0xdd: {  	[sflag:s23] =	ssyncset.done $0x0  }
0xde: {  	s12 =	simm.s32 $0x1A00;
	[sflag:s23] =	ssyncadd.s32 $0xFFFFC000  }
0xdf: {  	[spmem:s1] =	stream.indirect.scatter.add.f32 [tilespmem:s21], [sflag:$0x5], $0x80, s12, s20, $0xb8;
	[tilespmem:$0x1E000] =	vst v63  }
0xe0: {  	_ =	swait.ge [sflag:s18], $0x4000  }
0xe1: {  	[sflag:s18] =	ssyncset.done $0x0  }
0xe2: {  	s12 =	simm.s32 $0xB00;
	[sflag:s18] =	ssyncadd.s32 $0xFFFFC000  }
0xe3: {  	[tilespmem:s21], [sflag:$0x1] =	stream.indirect.gather [hbm4b:s9+s20], $0x80, s12, s20, $0xb8;
	[tilespmem:$0x1E000] =	vst v63  }
0xe4: {  	_ =	swait.ge [sflag:s25], $0x4000  }
0xe5: {  	[sflag:s25] =	ssyncset.done $0x0  }
0xe6: {  	s12 =	simm.s32 $0x1A80;
	[sflag:s25] =	ssyncadd.s32 $0xFFFFC000  }
0xe7: {  	[spmem:s1] =	stream.indirect.scatter.add.f32 [tilespmem:s22], [sflag:$0x5], $0x80, s12, s20, $0xb8;
	[tilespmem:$0x1E000] =	vst v63  }
0xe8: {  	_ =	swait.ge [sflag:s18], $0x4000  }
0xe9: {  	[sflag:s18] =	ssyncset.done $0x0  }
0xea: {  	s12 =	simm.s32 $0xB80;
	[sflag:s18] =	ssyncadd.s32 $0xFFFFC000  }
0xeb: {  	[tilespmem:s22], [sflag:$0x2] =	stream.indirect.gather [hbm4b:s9+s20], $0x80, s12, s20, $0xb8;
	[tilespmem:$0x1E000] =	vst v63  }
0xec: {  	_ =	swait.ge [sflag:s23], $0x4000  }
0xed: {  	[sflag:s23] =	ssyncset.done $0x0  }
0xee: {  	s12 =	simm.s32 $0x1B00;
	[sflag:s23] =	ssyncadd.s32 $0xFFFFC000  }
0xef: {  	[spmem:s1] =	stream.indirect.scatter.add.f32 [tilespmem:s21], [sflag:$0x5], $0x80, s12, s20, $0xb8;
	[tilespmem:$0x1E000] =	vst v63  }
0xf0: {  	_ =	swait.ge [sflag:s18], $0x4000  }
0xf1: {  	[sflag:s18] =	ssyncset.done $0x0  }
0xf2: {  	s12 =	simm.s32 $0xC00;
	[sflag:s18] =	ssyncadd.s32 $0xFFFFC000  }
0xf3: {  	[tilespmem:s21], [sflag:$0x1] =	stream.indirect.gather [hbm4b:s9+s20], $0x80, s12, s20, $0xb8;
	[tilespmem:$0x1E000] =	vst v63  }
0xf4: {  	_ =	swait.ge [sflag:s25], $0x4000  }
0xf5: {  	[sflag:s25] =	ssyncset.done $0x0  }
0xf6: {  	s12 =	simm.s32 $0x1B80;
	[sflag:s25] =	ssyncadd.s32 $0xFFFFC000  }
0xf7: {  	[spmem:s1] =	stream.indirect.scatter.add.f32 [tilespmem:s22], [sflag:$0x5], $0x80, s12, s20, $0xb8;
	[tilespmem:$0x1E000] =	vst v63  }
0xf8: {  	_ =	swait.ge [sflag:s18], $0x4000  }
0xf9: {  	[sflag:s18] =	ssyncset.done $0x0  }
0xfa: {  	s12 =	simm.s32 $0xC80;
	[sflag:s18] =	ssyncadd.s32 $0xFFFFC000  }
0xfb: {  	[tilespmem:s22], [sflag:$0x2] =	stream.indirect.gather [hbm4b:s9+s20], $0x80, s12, s20, $0xb8;
	[tilespmem:$0x1E000] =	vst v63  }
0xfc: {  	_ =	swait.ge [sflag:s23], $0x4000  }
0xfd: {  	[sflag:s23] =	ssyncset.done $0x0  }
0xfe: {  	s12 =	simm.s32 $0x1C00;
	[sflag:s23] =	ssyncadd.s32 $0xFFFFC000  }
0xff: {  	[spmem:s1] =	stream.indirect.scatter.add.f32 [tilespmem:s21], [sflag:$0x5], $0x80, s12, s20, $0xb8;
	[tilespmem:$0x1E000] =	vst v63  }
0x100: {  	_ =	swait.ge [sflag:s18], $0x4000  }
0x101: {  	[sflag:s18] =	ssyncset.done $0x0  }
0x102: {  	s12 =	simm.s32 $0xD00;
	[sflag:s18] =	ssyncadd.s32 $0xFFFFC000  }
0x103: {  	[tilespmem:s21], [sflag:$0x1] =	stream.indirect.gather [hbm4b:s9+s20], $0x80, s12, s20, $0xb8;
	[tilespmem:$0x1E000] =	vst v63  }
0x104: {  	_ =	swait.ge [sflag:s25], $0x4000  }
0x105: {  	[sflag:s25] =	ssyncset.done $0x0  }
0x106: {  	s12 =	simm.s32 $0x1C80;
	[sflag:s25] =	ssyncadd.s32 $0xFFFFC000  }
0x107: {  	[spmem:s1] =	stream.indirect.scatter.add.f32 [tilespmem:s22], [sflag:$0x5], $0x80, s12, s20, $0xb8;
	[tilespmem:$0x1E000] =	vst v63  }
0x108: {  	_ =	swait.ge [sflag:s18], $0x4000  }
0x109: {  	[sflag:s18] =	ssyncset.done $0x0  }
0x10a: {  	s12 =	simm.s32 $0xD80;
	[sflag:s18] =	ssyncadd.s32 $0xFFFFC000  }
0x10b: {  	[tilespmem:s22], [sflag:$0x2] =	stream.indirect.gather [hbm4b:s9+s20], $0x80, s12, s20, $0xb8;
	[tilespmem:$0x1E000] =	vst v63  }
0x10c: {  	_ =	swait.ge [sflag:s23], $0x4000  }
0x10d: {  	[sflag:s23] =	ssyncset.done $0x0  }
0x10e: {  	s12 =	simm.s32 $0x1D00;
	[sflag:s23] =	ssyncadd.s32 $0xFFFFC000  }
0x10f: {  	[spmem:s1] =	stream.indirect.scatter.add.f32 [tilespmem:s21], [sflag:$0x5], $0x80, s12, s20, $0xb8;
	[tilespmem:$0x1E000] =	vst v63  }
0x110: {  	_ =	swait.ge [sflag:s18], $0x4000  }
0x111: {  	[sflag:s18] =	ssyncset.done $0x0  }
0x112: {  	s12 =	simm.s32 $0xE00;
	[sflag:s18] =	ssyncadd.s32 $0xFFFFC000  }
0x113: {  	[tilespmem:s21], [sflag:$0x1] =	stream.indirect.gather [hbm4b:s9+s20], $0x80, s12, s20, $0xb8;
	[tilespmem:$0x1E000] =	vst v63  }
0x114: {  	_ =	swait.ge [sflag:s25], $0x4000  }
0x115: {  	[sflag:s25] =	ssyncset.done $0x0  }
0x116: {  	s12 =	simm.s32 $0x1D80;
	[sflag:s25] =	ssyncadd.s32 $0xFFFFC000  }
0x117: {  	[spmem:s1] =	stream.indirect.scatter.add.f32 [tilespmem:s22], [sflag:$0x5], $0x80, s12, s20, $0xb8;
	[tilespmem:$0x1E000] =	vst v63  }
0x118: {  	_ =	swait.ge [sflag:s18], $0x4000  }
0x119: {  	[sflag:s18] =	ssyncset.done $0x0  }
0x11a: {  	s12 =	simm.s32 $0xE80;
	[sflag:s18] =	ssyncadd.s32 $0xFFFFC000  }
0x11b: {  	[tilespmem:s22], [sflag:$0x2] =	stream.indirect.gather [hbm4b:s9+s20], $0x80, s12, s20, $0xb8;
	[tilespmem:$0x1E000] =	vst v63  }
0x11c: {  	_ =	swait.ge [sflag:s23], $0x4000  }
0x11d: {  	[sflag:s23] =	ssyncset.done $0x0  }
0x11e: {  	s12 =	simm.s32 $0x1E00;
	[sflag:s23] =	ssyncadd.s32 $0xFFFFC000  }
0x11f: {  	[spmem:s1] =	stream.indirect.scatter.add.f32 [tilespmem:s21], [sflag:$0x5], $0x80, s12, s20, $0xb8;
	[tilespmem:$0x1E000] =	vst v63  }
0x120: {  	_ =	swait.ge [sflag:s18], $0x4000  }
0x121: {  	[sflag:s18] =	ssyncset.done $0x0  }
0x122: {  	s12 =	simm.s32 $0xF00;
	[sflag:s18] =	ssyncadd.s32 $0xFFFFC000  }
0x123: {  	[tilespmem:s21], [sflag:$0x1] =	stream.indirect.gather [hbm4b:s9+s20], $0x80, s12, s20, $0xb8;
	[tilespmem:$0x1E000] =	vst v63  }
0x124: {  	_ =	swait.ge [sflag:s25], $0x4000  }
0x125: {  	[sflag:s25] =	ssyncset.done $0x0  }
0x126: {  	s12 =	simm.s32 $0x1E80;
	[sflag:s25] =	ssyncadd.s32 $0xFFFFC000  }
0x127: {  	[spmem:s1] =	stream.indirect.scatter.add.f32 [tilespmem:s22], [sflag:$0x5], $0x80, s12, s20, $0xb8;
	[tilespmem:$0x1E000] =	vst v63  }
0x128: {  	_ =	swait.ge [sflag:s18], $0x4000  }
0x129: {  	[sflag:s18] =	ssyncset.done $0x0  }
0x12a: {  	s12 =	simm.s32 $0xF80;
	[sflag:s18] =	ssyncadd.s32 $0xFFFFC000  }
0x12b: {  	[tilespmem:s22], [sflag:$0x2] =	stream.indirect.gather [hbm4b:s9+s20], $0x80, s12, s20, $0xb8;
	[tilespmem:$0x1E000] =	vst v63  }
0x12c: {  	_ =	swait.ge [sflag:s23], $0x4000  }
0x12d: {  	[sflag:s23] =	ssyncset.done $0x0  }
0x12e: {  	s12 =	simm.s32 $0x1F00;
	[sflag:s23] =	ssyncadd.s32 $0xFFFFC000  }
0x12f: {  	[spmem:s1] =	stream.indirect.scatter.add.f32 [tilespmem:s21], [sflag:$0x5], $0x80, s12, s20, $0xb8;
	[tilespmem:$0x1E000] =	vst v63  }
0x130: {  	_ =	swait.ge [sflag:s18], $0x4000  }
0x131: {  	[sflag:s18] =	ssyncset.done $0x0  }
0x132: {  	[sflag:s18] =	ssyncadd.s32 $0xFFFFC000  }
0x133: {  	_ =	swait.ge [sflag:s25], $0x4000  }
0x134: {  	[sflag:s25] =	ssyncset.done $0x0  }
0x135: {  	s12 =	simm.s32 $0x1F80;
	[sflag:s25] =	ssyncadd.s32 $0xFFFFC000  }
0x136: {  	[spmem:s1] =	stream.indirect.scatter.add.f32 [tilespmem:s22], [sflag:$0x5], $0x80, s12, s20, $0xb8;
	[tilespmem:$0x1E000] =	vst v63  }
0x137: {  	_ =	swait.ge [sflag:s18], $0x4000  }
0x138: {  	[sflag:s18] =	ssyncset.done $0x0  }
0x139: {  	[sflag:s18] =	ssyncadd.s32 $0xFFFFC000  }
.LBB2_7:
0x13a: {  	s4 =	sadd.s32 $0x1, s4  }
0x13b: {  	p0 =	sne.s32 s4, $0x9  }
.Ltmp3:
0x13c: {  	_ = 	snop;
	(pc) =	sbr.rel @!p0 .LBB2_8-.Ltmp3, $2  }
0x13d: {  	_ =	sdelay $0x2  }
0x13e: {  	s31 =	sadd.s32 $0x100, s31;
	s2 =	sadd.s32 $0x100, s2  }
.LBB2_2:
0x13f: {  	p0 =	seq.s32 s4, $0x8  }
.Ltmp4:
0x140: {  	_ = 	snop;
	(pc) =	sbr.rel @p0 .LBB2_5-.Ltmp4, $2  }
0x141: {  	_ =	sdelay $0x2  }
0x142: {  	s6 =	sand.u32 $0x1, s4  }
0x143: {  	p0 =	seq.s32 s6, $0x1  }
.Ltmp5:
0x144: {  	_ = 	snop;
	(pc) =	sbr.rel @p0 .LBB2_10-.Ltmp5, $1  }
0x145: {  	_ =	sdelay $0x3  }
0x146: {  	[tilespmem:s0], [sflag:$0x4] =	stream.linear.gather [hbm4b:s31+s3], $0x800, $0x38;
	[tilespmem:$0x1E000] =	vst v63  }
0x147: {  	_ = 	snop  }
0x148: {  	[tilespmem:s29], [sflag:$0x4] =	stream.linear.gather [hbm4b:s2+s3], $0x800, $0x38;
	[tilespmem:$0x1E000] =	vst v63  }
.LBB2_5:
0x149: {  	_ =	swait.ge [sflag:s19], $0x800  }
0x14a: {  	[sflag:s19] =	ssyncset.done $0x0  }
0x14b: {  	[sflag:s19] =	ssyncadd.s32 $0xFFFFF800  }
0x14c: {  	_ =	swait.ge [sflag:s19], $0x800  }
0x14d: {  	[sflag:s19] =	ssyncset.done $0x0  }
0x14e: {  	[sflag:s19] =	ssyncadd.s32 $0xFFFFF800  }
0x14f: {  	[tilespmem:s21], [sflag:$0x1] =	stream.indirect.gather [hbm4b:s9+s20], $0x80, s3, s20, $0xb8;
	[tilespmem:$0x1E000] =	vst v63  }
0x150: {  	_ = 	snop  }
0x151: {  	[tilespmem:s22], [sflag:$0x2] =	stream.indirect.gather [hbm4b:s9+s20], $0x80, s20, s20, $0xb8;
	[tilespmem:$0x1E000] =	vst v63  }
0x152: {  	_ =	swait.ge [sflag:s23], $0x4000  }
0x153: {  	[sflag:s23] =	ssyncset.done $0x0  }
0x154: {  	[sflag:s23] =	ssyncadd.s32 $0xFFFFC000  }
0x155: {  	[spmem:s1] =	stream.indirect.scatter.add.f32 [tilespmem:s21], [sflag:$0x5], $0x80, s17, s20, $0xb8;
	[tilespmem:$0x1E000] =	vst v63  }
0x156: {  	_ =	swait.ge [sflag:s18], $0x4000  }
0x157: {  	[sflag:s18] =	ssyncset.done $0x0  }
0x158: {  	s12 =	simm.s32 $0x100;
	[sflag:s18] =	ssyncadd.s32 $0xFFFFC000  }
0x159: {  	[tilespmem:s21], [sflag:$0x1] =	stream.indirect.gather [hbm4b:s9+s20], $0x80, s12, s20, $0xb8;
	[tilespmem:$0x1E000] =	vst v63  }
0x15a: {  	_ =	swait.ge [sflag:s25], $0x4000  }
0x15b: {  	[sflag:s25] =	ssyncset.done $0x0  }
0x15c: {  	s12 =	simm.s32 $0x1080;
	[sflag:s25] =	ssyncadd.s32 $0xFFFFC000  }
0x15d: {  	[spmem:s1] =	stream.indirect.scatter.add.f32 [tilespmem:s22], [sflag:$0x5], $0x80, s12, s20, $0xb8;
	[tilespmem:$0x1E000] =	vst v63  }
0x15e: {  	_ =	swait.ge [sflag:s18], $0x4000  }
0x15f: {  	[sflag:s18] =	ssyncset.done $0x0  }
0x160: {  	s12 =	simm.s32 $0x180;
	[sflag:s18] =	ssyncadd.s32 $0xFFFFC000  }
0x161: {  	[tilespmem:s22], [sflag:$0x2] =	stream.indirect.gather [hbm4b:s9+s20], $0x80, s12, s20, $0xb8;
	[tilespmem:$0x1E000] =	vst v63  }
0x162: {  	_ =	swait.ge [sflag:s23], $0x4000  }
0x163: {  	[sflag:s23] =	ssyncset.done $0x0  }
0x164: {  	s12 =	simm.s32 $0x1100;
	[sflag:s23] =	ssyncadd.s32 $0xFFFFC000  }
0x165: {  	[spmem:s1] =	stream.indirect.scatter.add.f32 [tilespmem:s21], [sflag:$0x5], $0x80, s12, s20, $0xb8;
	[tilespmem:$0x1E000] =	vst v63  }
0x166: {  	_ =	swait.ge [sflag:s18], $0x4000  }
0x167: {  	[sflag:s18] =	ssyncset.done $0x0  }
0x168: {  	s12 =	simm.s32 $0x200;
	[sflag:s18] =	ssyncadd.s32 $0xFFFFC000  }
0x169: {  	[tilespmem:s21], [sflag:$0x1] =	stream.indirect.gather [hbm4b:s9+s20], $0x80, s12, s20, $0xb8;
	[tilespmem:$0x1E000] =	vst v63  }
0x16a: {  	_ =	swait.ge [sflag:s25], $0x4000  }
0x16b: {  	[sflag:s25] =	ssyncset.done $0x0  }
0x16c: {  	s12 =	simm.s32 $0x1180;
	[sflag:s25] =	ssyncadd.s32 $0xFFFFC000  }
0x16d: {  	[spmem:s1] =	stream.indirect.scatter.add.f32 [tilespmem:s22], [sflag:$0x5], $0x80, s12, s20, $0xb8;
	[tilespmem:$0x1E000] =	vst v63  }
0x16e: {  	_ =	swait.ge [sflag:s18], $0x4000  }
0x16f: {  	[sflag:s18] =	ssyncset.done $0x0  }
0x170: {  	s12 =	simm.s32 $0x280;
	[sflag:s18] =	ssyncadd.s32 $0xFFFFC000  }
0x171: {  	[tilespmem:s22], [sflag:$0x2] =	stream.indirect.gather [hbm4b:s9+s20], $0x80, s12, s20, $0xb8;
	[tilespmem:$0x1E000] =	vst v63  }
0x172: {  	_ =	swait.ge [sflag:s23], $0x4000  }
0x173: {  	[sflag:s23] =	ssyncset.done $0x0  }
0x174: {  	s12 =	simm.s32 $0x1200;
	[sflag:s23] =	ssyncadd.s32 $0xFFFFC000  }
0x175: {  	[spmem:s1] =	stream.indirect.scatter.add.f32 [tilespmem:s21], [sflag:$0x5], $0x80, s12, s20, $0xb8;
	[tilespmem:$0x1E000] =	vst v63  }
0x176: {  	_ =	swait.ge [sflag:s18], $0x4000  }
0x177: {  	[sflag:s18] =	ssyncset.done $0x0  }
0x178: {  	s12 =	simm.s32 $0x300;
	[sflag:s18] =	ssyncadd.s32 $0xFFFFC000  }
0x179: {  	[tilespmem:s21], [sflag:$0x1] =	stream.indirect.gather [hbm4b:s9+s20], $0x80, s12, s20, $0xb8;
	[tilespmem:$0x1E000] =	vst v63  }
0x17a: {  	_ =	swait.ge [sflag:s25], $0x4000  }
0x17b: {  	[sflag:s25] =	ssyncset.done $0x0  }
0x17c: {  	s12 =	simm.s32 $0x1280;
	[sflag:s25] =	ssyncadd.s32 $0xFFFFC000  }
0x17d: {  	[spmem:s1] =	stream.indirect.scatter.add.f32 [tilespmem:s22], [sflag:$0x5], $0x80, s12, s20, $0xb8;
	[tilespmem:$0x1E000] =	vst v63  }
0x17e: {  	_ =	swait.ge [sflag:s18], $0x4000  }
0x17f: {  	[sflag:s18] =	ssyncset.done $0x0  }
0x180: {  	s12 =	simm.s32 $0x380;
	[sflag:s18] =	ssyncadd.s32 $0xFFFFC000  }
0x181: {  	[tilespmem:s22], [sflag:$0x2] =	stream.indirect.gather [hbm4b:s9+s20], $0x80, s12, s20, $0xb8;
	[tilespmem:$0x1E000] =	vst v63  }
0x182: {  	_ =	swait.ge [sflag:s23], $0x4000  }
0x183: {  	[sflag:s23] =	ssyncset.done $0x0  }
0x184: {  	[sflag:s23] =	ssyncadd.s32 $0xFFFFC000  }
0x185: {  	[spmem:s1] =	stream.indirect.scatter.add.f32 [tilespmem:s21], [sflag:$0x5], $0x80, s13, s20, $0xb8;
	[tilespmem:$0x1E000] =	vst v63  }
0x186: {  	_ =	swait.ge [sflag:s18], $0x4000  }
0x187: {  	[sflag:s18] =	ssyncset.done $0x0  }
0x188: {  	[sflag:s18] =	ssyncadd.s32 $0xFFFFC000  }
0x189: {  	[tilespmem:s21], [sflag:$0x1] =	stream.indirect.gather [hbm4b:s9+s20], $0x80, s15, s20, $0xb8;
	[tilespmem:$0x1E000] =	vst v63  }
0x18a: {  	_ =	swait.ge [sflag:s25], $0x4000  }
0x18b: {  	[sflag:s25] =	ssyncset.done $0x0  }
0x18c: {  	[sflag:s25] =	ssyncadd.s32 $0xFFFFC000  }
0x18d: {  	[spmem:s1] =	stream.indirect.scatter.add.f32 [tilespmem:s22], [sflag:$0x5], $0x80, s16, s20, $0xb8;
	[tilespmem:$0x1E000] =	vst v63  }
0x18e: {  	_ =	swait.ge [sflag:s18], $0x4000  }
0x18f: {  	[sflag:s18] =	ssyncset.done $0x0  }
0x190: {  	[sflag:s18] =	ssyncadd.s32 $0xFFFFC000  }
0x191: {  	[tilespmem:s22], [sflag:$0x2] =	stream.indirect.gather [hbm4b:s9+s20], $0x80, s8, s20, $0xb8;
	[tilespmem:$0x1E000] =	vst v63  }
0x192: {  	_ =	swait.ge [sflag:s23], $0x4000  }
0x193: {  	[sflag:s23] =	ssyncset.done $0x0  }
0x194: {  	[sflag:s23] =	ssyncadd.s32 $0xFFFFC000  }
0x195: {  	[spmem:s1] =	stream.indirect.scatter.add.f32 [tilespmem:s21], [sflag:$0x5], $0x80, s10, s20, $0xb8;
	[tilespmem:$0x1E000] =	vst v63  }
0x196: {  	_ =	swait.ge [sflag:s18], $0x4000  }
0x197: {  	[sflag:s18] =	ssyncset.done $0x0  }
0x198: {  	[sflag:s18] =	ssyncadd.s32 $0xFFFFC000  }
0x199: {  	[tilespmem:s21], [sflag:$0x1] =	stream.indirect.gather [hbm4b:s9+s20], $0x80, s5, s20, $0xb8;
	[tilespmem:$0x1E000] =	vst v63  }
0x19a: {  	_ =	swait.ge [sflag:s25], $0x4000  }
0x19b: {  	[sflag:s25] =	ssyncset.done $0x0  }
0x19c: {  	[sflag:s25] =	ssyncadd.s32 $0xFFFFC000  }
0x19d: {  	[spmem:s1] =	stream.indirect.scatter.add.f32 [tilespmem:s22], [sflag:$0x5], $0x80, s7, s20, $0xb8;
	[tilespmem:$0x1E000] =	vst v63  }
0x19e: {  	_ =	swait.ge [sflag:s18], $0x4000  }
0x19f: {  	[sflag:s18] =	ssyncset.done $0x0  }
0x1a0: {  	[sflag:s18] =	ssyncadd.s32 $0xFFFFC000  }
0x1a1: {  	[tilespmem:s22], [sflag:$0x2] =	stream.indirect.gather [hbm4b:s9+s20], $0x80, s14, s20, $0xb8;
	[tilespmem:$0x1E000] =	vst v63  }
0x1a2: {  	_ =	swait.ge [sflag:s23], $0x4000  }
0x1a3: {  	[sflag:s23] =	ssyncset.done $0x0  }
0x1a4: {  	[sflag:s23] =	ssyncadd.s32 $0xFFFFC000  }
0x1a5: {  	[spmem:s1] =	stream.indirect.scatter.add.f32 [tilespmem:s21], [sflag:$0x5], $0x80, s11, s20, $0xb8;
	[tilespmem:$0x1E000] =	vst v63  }
0x1a6: {  	_ =	swait.ge [sflag:s18], $0x4000  }
0x1a7: {  	[sflag:s18] =	ssyncset.done $0x0  }
0x1a8: {  	[sflag:s18] =	ssyncadd.s32 $0xFFFFC000  }
0x1a9: {  	[tilespmem:s21], [sflag:$0x1] =	stream.indirect.gather [hbm4b:s9+s20], $0x80, s24, s20, $0xb8;
	[tilespmem:$0x1E000] =	vst v63  }
0x1aa: {  	_ =	swait.ge [sflag:s25], $0x4000  }
0x1ab: {  	[sflag:s25] =	ssyncset.done $0x0  }
0x1ac: {  	[sflag:s25] =	ssyncadd.s32 $0xFFFFC000  }
0x1ad: {  	[spmem:s1] =	stream.indirect.scatter.add.f32 [tilespmem:s22], [sflag:$0x5], $0x80, s26, s20, $0xb8;
	[tilespmem:$0x1E000] =	vst v63  }
0x1ae: {  	_ =	swait.ge [sflag:s18], $0x4000  }
0x1af: {  	[sflag:s18] =	ssyncset.done $0x0  }
0x1b0: {  	s12 =	simm.s32 $0x680;
	[sflag:s18] =	ssyncadd.s32 $0xFFFFC000  }
0x1b1: {  	[tilespmem:s22], [sflag:$0x2] =	stream.indirect.gather [hbm4b:s9+s20], $0x80, s12, s20, $0xb8;
	[tilespmem:$0x1E000] =	vst v63  }
0x1b2: {  	_ =	swait.ge [sflag:s23], $0x4000  }
0x1b3: {  	[sflag:s23] =	ssyncset.done $0x0  }
0x1b4: {  	[sflag:s23] =	ssyncadd.s32 $0xFFFFC000  }
0x1b5: {  	[spmem:s1] =	stream.indirect.scatter.add.f32 [tilespmem:s21], [sflag:$0x5], $0x80, s28, s20, $0xb8;
	[tilespmem:$0x1E000] =	vst v63  }
0x1b6: {  	_ =	swait.ge [sflag:s18], $0x4000  }
0x1b7: {  	[sflag:s18] =	ssyncset.done $0x0  }
0x1b8: {  	s12 =	simm.s32 $0x700;
	[sflag:s18] =	ssyncadd.s32 $0xFFFFC000  }
0x1b9: {  	[tilespmem:s21], [sflag:$0x1] =	stream.indirect.gather [hbm4b:s9+s20], $0x80, s12, s20, $0xb8;
	[tilespmem:$0x1E000] =	vst v63  }
0x1ba: {  	_ =	swait.ge [sflag:s25], $0x4000  }
0x1bb: {  	[sflag:s25] =	ssyncset.done $0x0  }
0x1bc: {  	s12 =	simm.s32 $0x1680;
	[sflag:s25] =	ssyncadd.s32 $0xFFFFC000  }
0x1bd: {  	[spmem:s1] =	stream.indirect.scatter.add.f32 [tilespmem:s22], [sflag:$0x5], $0x80, s12, s20, $0xb8;
	[tilespmem:$0x1E000] =	vst v63  }
0x1be: {  	_ =	swait.ge [sflag:s18], $0x4000  }
0x1bf: {  	[sflag:s18] =	ssyncset.done $0x0  }
0x1c0: {  	s12 =	simm.s32 $0x780;
	[sflag:s18] =	ssyncadd.s32 $0xFFFFC000  }
0x1c1: {  	[tilespmem:s22], [sflag:$0x2] =	stream.indirect.gather [hbm4b:s9+s20], $0x80, s12, s20, $0xb8;
	[tilespmem:$0x1E000] =	vst v63  }
0x1c2: {  	_ =	swait.ge [sflag:s23], $0x4000  }
0x1c3: {  	[sflag:s23] =	ssyncset.done $0x0  }
0x1c4: {  	s12 =	simm.s32 $0x1700;
	[sflag:s23] =	ssyncadd.s32 $0xFFFFC000  }
0x1c5: {  	[spmem:s1] =	stream.indirect.scatter.add.f32 [tilespmem:s21], [sflag:$0x5], $0x80, s12, s20, $0xb8;
	[tilespmem:$0x1E000] =	vst v63  }
0x1c6: {  	_ =	swait.ge [sflag:s18], $0x4000  }
0x1c7: {  	[sflag:s18] =	ssyncset.done $0x0  }
0x1c8: {  	[sflag:s18] =	ssyncadd.s32 $0xFFFFC000  }
0x1c9: {  	_ =	swait.ge [sflag:s25], $0x4000  }
0x1ca: {  	[sflag:s25] =	ssyncset.done $0x0  }
0x1cb: {  	p0 =	seq.s32 s6, $0x0;
	s12 =	simm.s32 $0x1780;
	[sflag:s25] =	ssyncadd.s32 $0xFFFFC000  }
0x1cc: {  	[spmem:s1] =	stream.indirect.scatter.add.f32 [tilespmem:s22], [sflag:$0x5], $0x80, s12, s20, $0xb8;
	[tilespmem:$0x1E000] =	vst v63  }
.Ltmp6:
0x1cd: {  	_ = 	snop;
	(pc) =	sbr.rel @p0 .LBB2_7-.Ltmp6, $4  }
.Ltmp7:
0x1ce: {  	_ = 	snop;
	(pc) =	sbr.rel @!p0 .LBB2_6-.Ltmp7, $4  }
0x1cf: {  	_ =	swait.ge [sflag:s18], $0x4000  }
0x1d0: {  	[sflag:s18] =	ssyncset.done $0x0  }
0x1d1: {  	[sflag:s18] =	ssyncadd.s32 $0xFFFFC000  }
0x1d2: {  	_ = 	snop  }
.LBB2_9:
0x1d3: {  	_ =	sfence.sel $0x180000  }
0x1d4: {  	[bflag:$0x0] =	sbarrier.arrive $0xFFFF  }
0x1d5: {  	_ =	strace $0x9000004A  }
0x1d6: {  	s0 =	stileid.u32;
	[bflag:$0x2] =	sbarrier.arrive $0xFFFF  }
0x1d7: {  	p0 =	sne.s32 s0, $0x0;
	s0 =	rddreg [dreg:$0x3]  }
0x1d8: {  	s0 =	sadd.s32 @!p0 $0x100000, s0  }
0x1d9: {  	[sflag:s0] =	ssyncadd.tile.s32 @!p0 $0x1;
	_ =	shalt  }
.Lfunc_end2:
_tile_overlayer_lowered:
.L_overlay_start_2:
0x1da: {  	(tag) =	ssettag $0x2  }
0x1db: {  	s0 =	rddreg [dreg:$0x0];
	s2 =	stileid.u32  }
0x1dc: {  	s1 =	rddreg [dreg:$0x1];
	p0 =	sne.s32 s2, $0x0  }
0x1dd: {  	s3 =	rddreg [dreg:$0x2];
	[bflag:$0x3] =	sbarrier.arrive $0xFFFF;
	s2 =	simm.s32 @!p0 $0x1C05  }
0x1de: {  	[timem:s3], [sflag:s2] =	dma.local @!p0 [hbm:s0], s1  }
0x1df: {  	s0 =	simm.s32 @!p0 $0x5  }
0x1e0: {  	_ =	swait.ge @!p0 [sflag:s0], s1  }
0x1e1: {  	s1 =	ssub.s32 @!p0 $0x0, s1;
	[sflag:s0] =	ssyncset.done @!p0 $0x0  }
0x1e2: {  	[sflag:s0] =	ssyncadd.s32 @!p0 s1  }
0x1e3: {  	[bflag:$0x3] =	sbarrier.arrive $0xFFFF  }
0x1e4: {  	_ =	shalt  }

</sc_bundles>
